<compile_context>
chip_gen: v7x
topology: tpu7x:2x2x1
jax: 0.10.2.dev20260603
libtpu: 0.0.44.dev20260713+nightly
codegen_flags: <defaults>
</compile_context>

<pallas_src>
import functools

import jax
import jax.numpy as jnp
import numpy as np
from jax import lax
from jax.experimental import pallas as pl
from jax.experimental.pallas import tpu as pltpu
from jax.experimental.pallas import tpu_sc as plsc

_RATIO = 0.75
_T, _B, _C = 576, 64, 768
_REMAIN_T = int(_T * (1 - _RATIO))

_NC, _NS = 2, 16
_NW = _NC * _NS
_ROWS = _REMAIN_T * _B
_ROWS_PER_W = _ROWS // _NW
_CHUNK = 24
_NCHUNK = _ROWS_PER_W // _CHUNK
_NBUF = 6


def _make_indexes():
    with jax.default_device(jax.local_devices(backend="cpu")[0]):
        key = jax.random.key(42)
        keys = jax.random.split(key, _B)
        fwd = jnp.stack([jax.random.permutation(k, _T) for k in keys], axis=1)
        bwd = jnp.argsort(fwd, axis=0)
        return np.asarray(fwd), np.asarray(bwd)


_FWD, _BWD = _make_indexes()
_FLAT_IDX = (
    _FWD[:_REMAIN_T].astype(np.int64) * _B + np.arange(_B, dtype=np.int64)[None, :]
).astype(np.int32).reshape(_NW, _NCHUNK * _CHUNK)

@functools.lru_cache(maxsize=1)
def _build_gather_kernel():
    mesh = plsc.VectorSubcoreMesh(
        core_axis_name="c", subcore_axis_name="s",
        num_cores=_NC, num_subcores=_NS,
    )

    @functools.partial(
        pl.kernel,
        out_type=jax.ShapeDtypeStruct((_ROWS, _C), jnp.float32),
        mesh=mesh,
        scratch_types=[
            pltpu.VMEM((_NCHUNK * _CHUNK,), jnp.int32),
        ]
        + [pltpu.VMEM((_CHUNK, _C), jnp.float32)] * _NBUF
        + [pltpu.SemaphoreType.DMA] * (2 * _NBUF),
    )
    def _gather_kernel(table_hbm, idx_hbm, out_hbm, idx_v, *bufs_and_sems):
        bufs = bufs_and_sems[:_NBUF]
        gsems = bufs_and_sems[_NBUF:2 * _NBUF]
        ssems = bufs_and_sems[2 * _NBUF:]
        wid = lax.axis_index("s") * _NC + lax.axis_index("c")
        base = wid * _ROWS_PER_W
        pltpu.sync_copy(idx_hbm.at[wid], idx_v)

        gathers = [None] * _NCHUNK
        stores = [None] * _NCHUNK
        for j in range(min(_NBUF, _NCHUNK)):
            gathers[j] = pltpu.async_copy(
                table_hbm.at[idx_v.at[pl.ds(j * _CHUNK, _CHUNK)]], bufs[j], gsems[j]
            )
        for j in range(_NCHUNK):
            b = j % _NBUF
            gathers[j].wait()
            stores[j] = pltpu.async_copy(
                bufs[b], out_hbm.at[pl.ds(base + j * _CHUNK, _CHUNK)], ssems[b]
            )
            nj = j + _NBUF
            if nj < _NCHUNK:
                stores[j].wait()
                gathers[nj] = pltpu.async_copy(
                    table_hbm.at[idx_v.at[pl.ds(nj * _CHUNK, _CHUNK)]], bufs[b],
                    gsems[b]
                )
        for j in range(max(0, _NCHUNK - _NBUF), _NCHUNK):
            stores[j].wait()

    return _gather_kernel


def kernel(patches):
    table = patches.reshape(_T * _B, _C)
    out = _build_gather_kernel()(table, jnp.asarray(_FLAT_IDX))
    return out.reshape(_REMAIN_T, _B, _C), jnp.asarray(_FWD), jnp.asarray(_BWD)

# --- scband reference (transcript-rebuilt; emitter-appended) ---
"""Pipeline reference for scband-patch-shuffle-42829413876276 (READ-ONLY COPY).

The authoritative reference and input builder live on the scoring server;
editing this copy changes nothing except your own understanding.
"""

import jax, jax.numpy as jnp
import numpy as np

RATIO = 0.75

def setup_inputs(seed: int = 0) -> dict:
    key = jax.random.key(seed)
    patches = jax.random.normal(key, (576, 64, 768), dtype=jnp.float32)
    return {"patches": patches}

def _random_indexes(T, B):
    # deterministic stand-in for torch.randperm per batch element
    key = jax.random.key(42)
    keys = jax.random.split(key, B)
    forward = jnp.stack([jax.random.permutation(k, T) for k in keys], axis=1)  # [T, B]
    backward = jnp.argsort(forward, axis=0)  # [T, B]
    return forward, backward

def _take_indexes(sequences, indexes):
    T, B, C = sequences.shape
    idx = jnp.broadcast_to(indexes[:, :, None], (indexes.shape[0], B, C))
    return jnp.take_along_axis(sequences, idx, axis=0)

def reference(patches):
    T, B, C = patches.shape
    remain_T = int(T * (1 - RATIO))
    forward_indexes, backward_indexes = _random_indexes(T, B)
    shuffled = _take_indexes(patches, forward_indexes)
    shuffled = shuffled[:remain_T]
    return (shuffled, forward_indexes, backward_indexes)

if __name__ == "__main__":
    import jax
    _d = setup_inputs()
    print(jax.jit(kernel)(*tuple(_d.values())))

</pallas_src>

<mosaic_0001>
#map = affine_map<(d0, d1) -> (0, 0)>
module attributes {stable_mosaic.version = 14 : i64} {
  func.func @_gather_kernel(%arg0: i32, %arg1: i32, %arg2: memref<36864x768xf32, #tpu.memory_space<hbm>>, %arg3: memref<32x288xi32, #tpu.memory_space<hbm>>, %arg4: memref<9216x768xf32, #tpu.memory_space<hbm>>, %arg5: memref<288xi32, #tpu.memory_space<vmem>>, %arg6: memref<24x768xf32, #tpu.memory_space<vmem>>, %arg7: memref<24x768xf32, #tpu.memory_space<vmem>>, %arg8: memref<24x768xf32, #tpu.memory_space<vmem>>, %arg9: memref<24x768xf32, #tpu.memory_space<vmem>>, %arg10: memref<24x768xf32, #tpu.memory_space<vmem>>, %arg11: memref<24x768xf32, #tpu.memory_space<vmem>>, %arg12: memref<!tpu.dma_semaphore, #tpu.memory_space<semaphore_mem>>, %arg13: memref<!tpu.dma_semaphore, #tpu.memory_space<semaphore_mem>>, %arg14: memref<!tpu.dma_semaphore, #tpu.memory_space<semaphore_mem>>, %arg15: memref<!tpu.dma_semaphore, #tpu.memory_space<semaphore_mem>>, %arg16: memref<!tpu.dma_semaphore, #tpu.memory_space<semaphore_mem>>, %arg17: memref<!tpu.dma_semaphore, #tpu.memory_space<semaphore_mem>>, %arg18: memref<!tpu.dma_semaphore, #tpu.memory_space<semaphore_mem>>, %arg19: memref<!tpu.dma_semaphore, #tpu.memory_space<semaphore_mem>>, %arg20: memref<!tpu.dma_semaphore, #tpu.memory_space<semaphore_mem>>, %arg21: memref<!tpu.dma_semaphore, #tpu.memory_space<semaphore_mem>>, %arg22: memref<!tpu.dma_semaphore, #tpu.memory_space<semaphore_mem>>, %arg23: memref<!tpu.dma_semaphore, #tpu.memory_space<semaphore_mem>>) attributes {dimension_semantics = [#tpu.dimension_semantics<core_parallel>, #tpu.dimension_semantics<subcore_parallel>], iteration_bounds = array<i64: 2, 16>, scalar_prefetch = 0 : i64, scratch_operands = 19 : i64, tpu.core_type = #tpu.core_type<sc_vector_subcore>, window_params = [{transform_indices = #map}, {transform_indices = #map}, {transform_indices = #map}]} {
    %mul3A = arith.constant 2 : i32
    %mul3A_0 = arith.muli %arg1, %mul3A : i32
    %add3A = arith.addi %mul3A_0, %arg0 : i32
    %mul3A_1 = arith.constant 288 : i32
    %mul3A_2 = arith.muli %add3A, %mul3A_1 : i32
    "tpu.region"() ({
      %run_scoped3A = tpu.sem_alloc : memref<!tpu.dma_semaphore, #tpu.memory_space<semaphore_mem>>
      %dma_start3A_241 = arith.constant 0 : i32
      %dma_start3A_242 = tpu.memref_slice %arg3[%add3A, %dma_start3A_241] : memref<32x288xi32, #tpu.memory_space<hbm>> -> memref<1x288xi32, #tpu.memory_space<hbm>>
      %dma_start3A_243 = tpu.memref_squeeze %dma_start3A_242 : memref<1x288xi32, #tpu.memory_space<hbm>> -> memref<288xi32, #tpu.memory_space<hbm>>
      %dma_start3A_244 = arith.constant 0 : i32
      %dma_start3A_245 = tpu.memref_slice %arg3[%add3A, %dma_start3A_244] : memref<32x288xi32, #tpu.memory_space<hbm>> -> memref<1x288xi32, #tpu.memory_space<hbm>>
      %dma_start3A_246 = tpu.memref_squeeze %dma_start3A_245 : memref<1x288xi32, #tpu.memory_space<hbm>> -> memref<288xi32, #tpu.memory_space<hbm>>
      tpu.enqueue_dma source(%dma_start3A_246 : memref<288xi32, #tpu.memory_space<hbm>>) target(%arg5 : memref<288xi32, #tpu.memory_space<vmem>>) target_semaphore(%run_scoped3A : memref<!tpu.dma_semaphore, #tpu.memory_space<semaphore_mem>>)
      %dma_wait3A_247 = arith.constant 0 : i32
      %dma_wait3A_248 = tpu.memref_slice %arg3[%add3A, %dma_wait3A_247] : memref<32x288xi32, #tpu.memory_space<hbm>> -> memref<1x288xi32, #tpu.memory_space<hbm>>
      %dma_wait3A_249 = tpu.memref_squeeze %dma_wait3A_248 : memref<1x288xi32, #tpu.memory_space<hbm>> -> memref<288xi32, #tpu.memory_space<hbm>>
      %dma_wait3A_250 = arith.constant 0 : i32
      %dma_wait3A_251 = tpu.memref_slice %arg3[%add3A, %dma_wait3A_250] : memref<32x288xi32, #tpu.memory_space<hbm>> -> memref<1x288xi32, #tpu.memory_space<hbm>>
      %dma_wait3A_252 = tpu.memref_squeeze %dma_wait3A_251 : memref<1x288xi32, #tpu.memory_space<hbm>> -> memref<288xi32, #tpu.memory_space<hbm>>
      tpu.wait_dma2 semaphore(%run_scoped3A : memref<!tpu.dma_semaphore, #tpu.memory_space<semaphore_mem>>) src(%dma_wait3A_252 : memref<288xi32, #tpu.memory_space<hbm>>) dst(%arg5 : memref<288xi32, #tpu.memory_space<vmem>>)
      tpu.yield
    }) : () -> ()
    %dma_start3A = arith.constant 0 : i32
    %dma_start3A_3 = tpu.memref_slice %arg5[%dma_start3A] : memref<288xi32, #tpu.memory_space<vmem>> -> memref<24xi32, #tpu.memory_space<vmem>>
    %dma_start3A_4 = arith.constant 0 : i32
    %dma_start3A_5 = arith.constant 0 : i32
    %dma_start3A_6 = tpu.memref_slice %arg2[%dma_start3A_4, %dma_start3A_5] : memref<36864x768xf32, #tpu.memory_space<hbm>> -> memref<36864x768xf32, #tpu.memory_space<hbm>>
    tpu.enqueue_indirect_dma source(%dma_start3A_6 : memref<36864x768xf32, #tpu.memory_space<hbm>>) target(%arg6 : memref<24x768xf32, #tpu.memory_space<vmem>>) offsets(%dma_start3A_3 : memref<24xi32, #tpu.memory_space<vmem>>) semaphore(%arg12 : memref<!tpu.dma_semaphore, #tpu.memory_space<semaphore_mem>>)
    %dma_start3A_7 = arith.constant 24 : i32
    %dma_start3A_8 = tpu.memref_slice %arg5[%dma_start3A_7] : memref<288xi32, #tpu.memory_space<vmem>> -> memref<24xi32, #tpu.memory_space<vmem>>
    %dma_start3A_9 = arith.constant 0 : i32
    %dma_start3A_10 = arith.constant 0 : i32
    %dma_start3A_11 = tpu.memref_slice %arg2[%dma_start3A_9, %dma_start3A_10] : memref<36864x768xf32, #tpu.memory_space<hbm>> -> memref<36864x768xf32, #tpu.memory_space<hbm>>
    tpu.enqueue_indirect_dma source(%dma_start3A_11 : memref<36864x768xf32, #tpu.memory_space<hbm>>) target(%arg7 : memref<24x768xf32, #tpu.memory_space<vmem>>) offsets(%dma_start3A_8 : memref<24xi32, #tpu.memory_space<vmem>>) semaphore(%arg13 : memref<!tpu.dma_semaphore, #tpu.memory_space<semaphore_mem>>)
    %dma_start3A_12 = arith.constant 48 : i32
    %dma_start3A_13 = tpu.memref_slice %arg5[%dma_start3A_12] : memref<288xi32, #tpu.memory_space<vmem>> -> memref<24xi32, #tpu.memory_space<vmem>>
    %dma_start3A_14 = arith.constant 0 : i32
    %dma_start3A_15 = arith.constant 0 : i32
    %dma_start3A_16 = tpu.memref_slice %arg2[%dma_start3A_14, %dma_start3A_15] : memref<36864x768xf32, #tpu.memory_space<hbm>> -> memref<36864x768xf32, #tpu.memory_space<hbm>>
    tpu.enqueue_indirect_dma source(%dma_start3A_16 : memref<36864x768xf32, #tpu.memory_space<hbm>>) target(%arg8 : memref<24x768xf32, #tpu.memory_space<vmem>>) offsets(%dma_start3A_13 : memref<24xi32, #tpu.memory_space<vmem>>) semaphore(%arg14 : memref<!tpu.dma_semaphore, #tpu.memory_space<semaphore_mem>>)
    %dma_start3A_17 = arith.constant 72 : i32
    %dma_start3A_18 = tpu.memref_slice %arg5[%dma_start3A_17] : memref<288xi32, #tpu.memory_space<vmem>> -> memref<24xi32, #tpu.memory_space<vmem>>
    %dma_start3A_19 = arith.constant 0 : i32
    %dma_start3A_20 = arith.constant 0 : i32
    %dma_start3A_21 = tpu.memref_slice %arg2[%dma_start3A_19, %dma_start3A_20] : memref<36864x768xf32, #tpu.memory_space<hbm>> -> memref<36864x768xf32, #tpu.memory_space<hbm>>
    tpu.enqueue_indirect_dma source(%dma_start3A_21 : memref<36864x768xf32, #tpu.memory_space<hbm>>) target(%arg9 : memref<24x768xf32, #tpu.memory_space<vmem>>) offsets(%dma_start3A_18 : memref<24xi32, #tpu.memory_space<vmem>>) semaphore(%arg15 : memref<!tpu.dma_semaphore, #tpu.memory_space<semaphore_mem>>)
    %dma_start3A_22 = arith.constant 96 : i32
    %dma_start3A_23 = tpu.memref_slice %arg5[%dma_start3A_22] : memref<288xi32, #tpu.memory_space<vmem>> -> memref<24xi32, #tpu.memory_space<vmem>>
    %dma_start3A_24 = arith.constant 0 : i32
    %dma_start3A_25 = arith.constant 0 : i32
    %dma_start3A_26 = tpu.memref_slice %arg2[%dma_start3A_24, %dma_start3A_25] : memref<36864x768xf32, #tpu.memory_space<hbm>> -> memref<36864x768xf32, #tpu.memory_space<hbm>>
    tpu.enqueue_indirect_dma source(%dma_start3A_26 : memref<36864x768xf32, #tpu.memory_space<hbm>>) target(%arg10 : memref<24x768xf32, #tpu.memory_space<vmem>>) offsets(%dma_start3A_23 : memref<24xi32, #tpu.memory_space<vmem>>) semaphore(%arg16 : memref<!tpu.dma_semaphore, #tpu.memory_space<semaphore_mem>>)
    %dma_start3A_27 = arith.constant 120 : i32
    %dma_start3A_28 = tpu.memref_slice %arg5[%dma_start3A_27] : memref<288xi32, #tpu.memory_space<vmem>> -> memref<24xi32, #tpu.memory_space<vmem>>
    %dma_start3A_29 = arith.constant 0 : i32
    %dma_start3A_30 = arith.constant 0 : i32
    %dma_start3A_31 = tpu.memref_slice %arg2[%dma_start3A_29, %dma_start3A_30] : memref<36864x768xf32, #tpu.memory_space<hbm>> -> memref<36864x768xf32, #tpu.memory_space<hbm>>
    tpu.enqueue_indirect_dma source(%dma_start3A_31 : memref<36864x768xf32, #tpu.memory_space<hbm>>) target(%arg11 : memref<24x768xf32, #tpu.memory_space<vmem>>) offsets(%dma_start3A_28 : memref<24xi32, #tpu.memory_space<vmem>>) semaphore(%arg17 : memref<!tpu.dma_semaphore, #tpu.memory_space<semaphore_mem>>)
    %dma_wait3A = arith.constant 0 : i32
    %dma_wait3A_32 = tpu.memref_slice %arg5[%dma_wait3A] : memref<288xi32, #tpu.memory_space<vmem>> -> memref<24xi32, #tpu.memory_space<vmem>>
    %dma_wait3A_33 = arith.constant 0 : i32
    %dma_wait3A_34 = arith.constant 0 : i32
    %dma_wait3A_35 = tpu.memref_slice %arg2[%dma_wait3A_33, %dma_wait3A_34] : memref<36864x768xf32, #tpu.memory_space<hbm>> -> memref<36864x768xf32, #tpu.memory_space<hbm>>
    tpu.wait_indirect_dma semaphore(%arg12 : memref<!tpu.dma_semaphore, #tpu.memory_space<semaphore_mem>>) src(%dma_wait3A_35 : memref<36864x768xf32, #tpu.memory_space<hbm>>) dst(%arg6 : memref<24x768xf32, #tpu.memory_space<vmem>>)
    %add3A_36 = arith.constant 0 : i32
    %add3A_37 = arith.addi %mul3A_2, %add3A_36 : i32
    %dma_start3A_38 = arith.constant 0 : i32
    %dma_start3A_39 = tpu.memref_slice %arg4[%add3A_37, %dma_start3A_38] : memref<9216x768xf32, #tpu.memory_space<hbm>> -> memref<24x768xf32, #tpu.memory_space<hbm>>
    %dma_start3A_40 = arith.constant 0 : i32
    %dma_start3A_41 = tpu.memref_slice %arg4[%add3A_37, %dma_start3A_40] : memref<9216x768xf32, #tpu.memory_space<hbm>> -> memref<24x768xf32, #tpu.memory_space<hbm>>
    tpu.enqueue_dma source(%arg6 : memref<24x768xf32, #tpu.memory_space<vmem>>) target(%dma_start3A_41 : memref<24x768xf32, #tpu.memory_space<hbm>>) target_semaphore(%arg18 : memref<!tpu.dma_semaphore, #tpu.memory_space<semaphore_mem>>)
    %dma_wait3A_42 = arith.constant 0 : i32
    %dma_wait3A_43 = tpu.memref_slice %arg4[%add3A_37, %dma_wait3A_42] : memref<9216x768xf32, #tpu.memory_space<hbm>> -> memref<24x768xf32, #tpu.memory_space<hbm>>
    %dma_wait3A_44 = arith.constant 0 : i32
    %dma_wait3A_45 = tpu.memref_slice %arg4[%add3A_37, %dma_wait3A_44] : memref<9216x768xf32, #tpu.memory_space<hbm>> -> memref<24x768xf32, #tpu.memory_space<hbm>>
    tpu.wait_dma2 semaphore(%arg18 : memref<!tpu.dma_semaphore, #tpu.memory_space<semaphore_mem>>) src(%arg6 : memref<24x768xf32, #tpu.memory_space<vmem>>) dst(%dma_wait3A_45 : memref<24x768xf32, #tpu.memory_space<hbm>>)
    %dma_start3A_46 = arith.constant 144 : i32
    %dma_start3A_47 = tpu.memref_slice %arg5[%dma_start3A_46] : memref<288xi32, #tpu.memory_space<vmem>> -> memref<24xi32, #tpu.memory_space<vmem>>
    %dma_start3A_48 = arith.constant 0 : i32
    %dma_start3A_49 = arith.constant 0 : i32
    %dma_start3A_50 = tpu.memref_slice %arg2[%dma_start3A_48, %dma_start3A_49] : memref<36864x768xf32, #tpu.memory_space<hbm>> -> memref<36864x768xf32, #tpu.memory_space<hbm>>
    tpu.enqueue_indirect_dma source(%dma_start3A_50 : memref<36864x768xf32, #tpu.memory_space<hbm>>) target(%arg6 : memref<24x768xf32, #tpu.memory_space<vmem>>) offsets(%dma_start3A_47 : memref<24xi32, #tpu.memory_space<vmem>>) semaphore(%arg12 : memref<!tpu.dma_semaphore, #tpu.memory_space<semaphore_mem>>)
    %dma_wait3A_51 = arith.constant 24 : i32
    %dma_wait3A_52 = tpu.memref_slice %arg5[%dma_wait3A_51] : memref<288xi32, #tpu.memory_space<vmem>> -> memref<24xi32, #tpu.memory_space<vmem>>
    %dma_wait3A_53 = arith.constant 0 : i32
    %dma_wait3A_54 = arith.constant 0 : i32
    %dma_wait3A_55 = tpu.memref_slice %arg2[%dma_wait3A_53, %dma_wait3A_54] : memref<36864x768xf32, #tpu.memory_space<hbm>> -> memref<36864x768xf32, #tpu.memory_space<hbm>>
    tpu.wait_indirect_dma semaphore(%arg13 : memref<!tpu.dma_semaphore, #tpu.memory_space<semaphore_mem>>) src(%dma_wait3A_55 : memref<36864x768xf32, #tpu.memory_space<hbm>>) dst(%arg7 : memref<24x768xf32, #tpu.memory_space<vmem>>)
    %add3A_56 = arith.constant 24 : i32
    %add3A_57 = arith.addi %mul3A_2, %add3A_56 : i32
    %dma_start3A_58 = arith.constant 0 : i32
    %dma_start3A_59 = tpu.memref_slice %arg4[%add3A_57, %dma_start3A_58] : memref<9216x768xf32, #tpu.memory_space<hbm>> -> memref<24x768xf32, #tpu.memory_space<hbm>>
    %dma_start3A_60 = arith.constant 0 : i32
    %dma_start3A_61 = tpu.memref_slice %arg4[%add3A_57, %dma_start3A_60] : memref<9216x768xf32, #tpu.memory_space<hbm>> -> memref<24x768xf32, #tpu.memory_space<hbm>>
    tpu.enqueue_dma source(%arg7 : memref<24x768xf32, #tpu.memory_space<vmem>>) target(%dma_start3A_61 : memref<24x768xf32, #tpu.memory_space<hbm>>) target_semaphore(%arg19 : memref<!tpu.dma_semaphore, #tpu.memory_space<semaphore_mem>>)
    %dma_wait3A_62 = arith.constant 0 : i32
    %dma_wait3A_63 = tpu.memref_slice %arg4[%add3A_57, %dma_wait3A_62] : memref<9216x768xf32, #tpu.memory_space<hbm>> -> memref<24x768xf32, #tpu.memory_space<hbm>>
    %dma_wait3A_64 = arith.constant 0 : i32
    %dma_wait3A_65 = tpu.memref_slice %arg4[%add3A_57, %dma_wait3A_64] : memref<9216x768xf32, #tpu.memory_space<hbm>> -> memref<24x768xf32, #tpu.memory_space<hbm>>
    tpu.wait_dma2 semaphore(%arg19 : memref<!tpu.dma_semaphore, #tpu.memory_space<semaphore_mem>>) src(%arg7 : memref<24x768xf32, #tpu.memory_space<vmem>>) dst(%dma_wait3A_65 : memref<24x768xf32, #tpu.memory_space<hbm>>)
    %dma_start3A_66 = arith.constant 168 : i32
    %dma_start3A_67 = tpu.memref_slice %arg5[%dma_start3A_66] : memref<288xi32, #tpu.memory_space<vmem>> -> memref<24xi32, #tpu.memory_space<vmem>>
    %dma_start3A_68 = arith.constant 0 : i32
    %dma_start3A_69 = arith.constant 0 : i32
    %dma_start3A_70 = tpu.memref_slice %arg2[%dma_start3A_68, %dma_start3A_69] : memref<36864x768xf32, #tpu.memory_space<hbm>> -> memref<36864x768xf32, #tpu.memory_space<hbm>>
    tpu.enqueue_indirect_dma source(%dma_start3A_70 : memref<36864x768xf32, #tpu.memory_space<hbm>>) target(%arg7 : memref<24x768xf32, #tpu.memory_space<vmem>>) offsets(%dma_start3A_67 : memref<24xi32, #tpu.memory_space<vmem>>) semaphore(%arg13 : memref<!tpu.dma_semaphore, #tpu.memory_space<semaphore_mem>>)
    %dma_wait3A_71 = arith.constant 48 : i32
    %dma_wait3A_72 = tpu.memref_slice %arg5[%dma_wait3A_71] : memref<288xi32, #tpu.memory_space<vmem>> -> memref<24xi32, #tpu.memory_space<vmem>>
    %dma_wait3A_73 = arith.constant 0 : i32
    %dma_wait3A_74 = arith.constant 0 : i32
    %dma_wait3A_75 = tpu.memref_slice %arg2[%dma_wait3A_73, %dma_wait3A_74] : memref<36864x768xf32, #tpu.memory_space<hbm>> -> memref<36864x768xf32, #tpu.memory_space<hbm>>
    tpu.wait_indirect_dma semaphore(%arg14 : memref<!tpu.dma_semaphore, #tpu.memory_space<semaphore_mem>>) src(%dma_wait3A_75 : memref<36864x768xf32, #tpu.memory_space<hbm>>) dst(%arg8 : memref<24x768xf32, #tpu.memory_space<vmem>>)
    %add3A_76 = arith.constant 48 : i32
    %add3A_77 = arith.addi %mul3A_2, %add3A_76 : i32
    %dma_start3A_78 = arith.constant 0 : i32
    %dma_start3A_79 = tpu.memref_slice %arg4[%add3A_77, %dma_start3A_78] : memref<9216x768xf32, #tpu.memory_space<hbm>> -> memref<24x768xf32, #tpu.memory_space<hbm>>
    %dma_start3A_80 = arith.constant 0 : i32
    %dma_start3A_81 = tpu.memref_slice %arg4[%add3A_77, %dma_start3A_80] : memref<9216x768xf32, #tpu.memory_space<hbm>> -> memref<24x768xf32, #tpu.memory_space<hbm>>
    tpu.enqueue_dma source(%arg8 : memref<24x768xf32, #tpu.memory_space<vmem>>) target(%dma_start3A_81 : memref<24x768xf32, #tpu.memory_space<hbm>>) target_semaphore(%arg20 : memref<!tpu.dma_semaphore, #tpu.memory_space<semaphore_mem>>)
    %dma_wait3A_82 = arith.constant 0 : i32
    %dma_wait3A_83 = tpu.memref_slice %arg4[%add3A_77, %dma_wait3A_82] : memref<9216x768xf32, #tpu.memory_space<hbm>> -> memref<24x768xf32, #tpu.memory_space<hbm>>
    %dma_wait3A_84 = arith.constant 0 : i32
    %dma_wait3A_85 = tpu.memref_slice %arg4[%add3A_77, %dma_wait3A_84] : memref<9216x768xf32, #tpu.memory_space<hbm>> -> memref<24x768xf32, #tpu.memory_space<hbm>>
    tpu.wait_dma2 semaphore(%arg20 : memref<!tpu.dma_semaphore, #tpu.memory_space<semaphore_mem>>) src(%arg8 : memref<24x768xf32, #tpu.memory_space<vmem>>) dst(%dma_wait3A_85 : memref<24x768xf32, #tpu.memory_space<hbm>>)
    %dma_start3A_86 = arith.constant 192 : i32
    %dma_start3A_87 = tpu.memref_slice %arg5[%dma_start3A_86] : memref<288xi32, #tpu.memory_space<vmem>> -> memref<24xi32, #tpu.memory_space<vmem>>
    %dma_start3A_88 = arith.constant 0 : i32
    %dma_start3A_89 = arith.constant 0 : i32
    %dma_start3A_90 = tpu.memref_slice %arg2[%dma_start3A_88, %dma_start3A_89] : memref<36864x768xf32, #tpu.memory_space<hbm>> -> memref<36864x768xf32, #tpu.memory_space<hbm>>
    tpu.enqueue_indirect_dma source(%dma_start3A_90 : memref<36864x768xf32, #tpu.memory_space<hbm>>) target(%arg8 : memref<24x768xf32, #tpu.memory_space<vmem>>) offsets(%dma_start3A_87 : memref<24xi32, #tpu.memory_space<vmem>>) semaphore(%arg14 : memref<!tpu.dma_semaphore, #tpu.memory_space<semaphore_mem>>)
    %dma_wait3A_91 = arith.constant 72 : i32
    %dma_wait3A_92 = tpu.memref_slice %arg5[%dma_wait3A_91] : memref<288xi32, #tpu.memory_space<vmem>> -> memref<24xi32, #tpu.memory_space<vmem>>
    %dma_wait3A_93 = arith.constant 0 : i32
    %dma_wait3A_94 = arith.constant 0 : i32
    %dma_wait3A_95 = tpu.memref_slice %arg2[%dma_wait3A_93, %dma_wait3A_94] : memref<36864x768xf32, #tpu.memory_space<hbm>> -> memref<36864x768xf32, #tpu.memory_space<hbm>>
    tpu.wait_indirect_dma semaphore(%arg15 : memref<!tpu.dma_semaphore, #tpu.memory_space<semaphore_mem>>) src(%dma_wait3A_95 : memref<36864x768xf32, #tpu.memory_space<hbm>>) dst(%arg9 : memref<24x768xf32, #tpu.memory_space<vmem>>)
    %add3A_96 = arith.constant 72 : i32
    %add3A_97 = arith.addi %mul3A_2, %add3A_96 : i32
    %dma_start3A_98 = arith.constant 0 : i32
    %dma_start3A_99 = tpu.memref_slice %arg4[%add3A_97, %dma_start3A_98] : memref<9216x768xf32, #tpu.memory_space<hbm>> -> memref<24x768xf32, #tpu.memory_space<hbm>>
    %dma_start3A_100 = arith.constant 0 : i32
    %dma_start3A_101 = tpu.memref_slice %arg4[%add3A_97, %dma_start3A_100] : memref<9216x768xf32, #tpu.memory_space<hbm>> -> memref<24x768xf32, #tpu.memory_space<hbm>>
    tpu.enqueue_dma source(%arg9 : memref<24x768xf32, #tpu.memory_space<vmem>>) target(%dma_start3A_101 : memref<24x768xf32, #tpu.memory_space<hbm>>) target_semaphore(%arg21 : memref<!tpu.dma_semaphore, #tpu.memory_space<semaphore_mem>>)
    %dma_wait3A_102 = arith.constant 0 : i32
    %dma_wait3A_103 = tpu.memref_slice %arg4[%add3A_97, %dma_wait3A_102] : memref<9216x768xf32, #tpu.memory_space<hbm>> -> memref<24x768xf32, #tpu.memory_space<hbm>>
    %dma_wait3A_104 = arith.constant 0 : i32
    %dma_wait3A_105 = tpu.memref_slice %arg4[%add3A_97, %dma_wait3A_104] : memref<9216x768xf32, #tpu.memory_space<hbm>> -> memref<24x768xf32, #tpu.memory_space<hbm>>
    tpu.wait_dma2 semaphore(%arg21 : memref<!tpu.dma_semaphore, #tpu.memory_space<semaphore_mem>>) src(%arg9 : memref<24x768xf32, #tpu.memory_space<vmem>>) dst(%dma_wait3A_105 : memref<24x768xf32, #tpu.memory_space<hbm>>)
    %dma_start3A_106 = arith.constant 216 : i32
    %dma_start3A_107 = tpu.memref_slice %arg5[%dma_start3A_106] : memref<288xi32, #tpu.memory_space<vmem>> -> memref<24xi32, #tpu.memory_space<vmem>>
    %dma_start3A_108 = arith.constant 0 : i32
    %dma_start3A_109 = arith.constant 0 : i32
    %dma_start3A_110 = tpu.memref_slice %arg2[%dma_start3A_108, %dma_start3A_109] : memref<36864x768xf32, #tpu.memory_space<hbm>> -> memref<36864x768xf32, #tpu.memory_space<hbm>>
    tpu.enqueue_indirect_dma source(%dma_start3A_110 : memref<36864x768xf32, #tpu.memory_space<hbm>>) target(%arg9 : memref<24x768xf32, #tpu.memory_space<vmem>>) offsets(%dma_start3A_107 : memref<24xi32, #tpu.memory_space<vmem>>) semaphore(%arg15 : memref<!tpu.dma_semaphore, #tpu.memory_space<semaphore_mem>>)
    %dma_wait3A_111 = arith.constant 96 : i32
    %dma_wait3A_112 = tpu.memref_slice %arg5[%dma_wait3A_111] : memref<288xi32, #tpu.memory_space<vmem>> -> memref<24xi32, #tpu.memory_space<vmem>>
    %dma_wait3A_113 = arith.constant 0 : i32
    %dma_wait3A_114 = arith.constant 0 : i32
    %dma_wait3A_115 = tpu.memref_slice %arg2[%dma_wait3A_113, %dma_wait3A_114] : memref<36864x768xf32, #tpu.memory_space<hbm>> -> memref<36864x768xf32, #tpu.memory_space<hbm>>
    tpu.wait_indirect_dma semaphore(%arg16 : memref<!tpu.dma_semaphore, #tpu.memory_space<semaphore_mem>>) src(%dma_wait3A_115 : memref<36864x768xf32, #tpu.memory_space<hbm>>) dst(%arg10 : memref<24x768xf32, #tpu.memory_space<vmem>>)
    %add3A_116 = arith.constant 96 : i32
    %add3A_117 = arith.addi %mul3A_2, %add3A_116 : i32
    %dma_start3A_118 = arith.constant 0 : i32
    %dma_start3A_119 = tpu.memref_slice %arg4[%add3A_117, %dma_start3A_118] : memref<9216x768xf32, #tpu.memory_space<hbm>> -> memref<24x768xf32, #tpu.memory_space<hbm>>
    %dma_start3A_120 = arith.constant 0 : i32
    %dma_start3A_121 = tpu.memref_slice %arg4[%add3A_117, %dma_start3A_120] : memref<9216x768xf32, #tpu.memory_space<hbm>> -> memref<24x768xf32, #tpu.memory_space<hbm>>
    tpu.enqueue_dma source(%arg10 : memref<24x768xf32, #tpu.memory_space<vmem>>) target(%dma_start3A_121 : memref<24x768xf32, #tpu.memory_space<hbm>>) target_semaphore(%arg22 : memref<!tpu.dma_semaphore, #tpu.memory_space<semaphore_mem>>)
    %dma_wait3A_122 = arith.constant 0 : i32
    %dma_wait3A_123 = tpu.memref_slice %arg4[%add3A_117, %dma_wait3A_122] : memref<9216x768xf32, #tpu.memory_space<hbm>> -> memref<24x768xf32, #tpu.memory_space<hbm>>
    %dma_wait3A_124 = arith.constant 0 : i32
    %dma_wait3A_125 = tpu.memref_slice %arg4[%add3A_117, %dma_wait3A_124] : memref<9216x768xf32, #tpu.memory_space<hbm>> -> memref<24x768xf32, #tpu.memory_space<hbm>>
    tpu.wait_dma2 semaphore(%arg22 : memref<!tpu.dma_semaphore, #tpu.memory_space<semaphore_mem>>) src(%arg10 : memref<24x768xf32, #tpu.memory_space<vmem>>) dst(%dma_wait3A_125 : memref<24x768xf32, #tpu.memory_space<hbm>>)
    %dma_start3A_126 = arith.constant 240 : i32
    %dma_start3A_127 = tpu.memref_slice %arg5[%dma_start3A_126] : memref<288xi32, #tpu.memory_space<vmem>> -> memref<24xi32, #tpu.memory_space<vmem>>
    %dma_start3A_128 = arith.constant 0 : i32
    %dma_start3A_129 = arith.constant 0 : i32
    %dma_start3A_130 = tpu.memref_slice %arg2[%dma_start3A_128, %dma_start3A_129] : memref<36864x768xf32, #tpu.memory_space<hbm>> -> memref<36864x768xf32, #tpu.memory_space<hbm>>
    tpu.enqueue_indirect_dma source(%dma_start3A_130 : memref<36864x768xf32, #tpu.memory_space<hbm>>) target(%arg10 : memref<24x768xf32, #tpu.memory_space<vmem>>) offsets(%dma_start3A_127 : memref<24xi32, #tpu.memory_space<vmem>>) semaphore(%arg16 : memref<!tpu.dma_semaphore, #tpu.memory_space<semaphore_mem>>)
    %dma_wait3A_131 = arith.constant 120 : i32
    %dma_wait3A_132 = tpu.memref_slice %arg5[%dma_wait3A_131] : memref<288xi32, #tpu.memory_space<vmem>> -> memref<24xi32, #tpu.memory_space<vmem>>
    %dma_wait3A_133 = arith.constant 0 : i32
    %dma_wait3A_134 = arith.constant 0 : i32
    %dma_wait3A_135 = tpu.memref_slice %arg2[%dma_wait3A_133, %dma_wait3A_134] : memref<36864x768xf32, #tpu.memory_space<hbm>> -> memref<36864x768xf32, #tpu.memory_space<hbm>>
    tpu.wait_indirect_dma semaphore(%arg17 : memref<!tpu.dma_semaphore, #tpu.memory_space<semaphore_mem>>) src(%dma_wait3A_135 : memref<36864x768xf32, #tpu.memory_space<hbm>>) dst(%arg11 : memref<24x768xf32, #tpu.memory_space<vmem>>)
    %add3A_136 = arith.constant 120 : i32
    %add3A_137 = arith.addi %mul3A_2, %add3A_136 : i32
    %dma_start3A_138 = arith.constant 0 : i32
    %dma_start3A_139 = tpu.memref_slice %arg4[%add3A_137, %dma_start3A_138] : memref<9216x768xf32, #tpu.memory_space<hbm>> -> memref<24x768xf32, #tpu.memory_space<hbm>>
    %dma_start3A_140 = arith.constant 0 : i32
    %dma_start3A_141 = tpu.memref_slice %arg4[%add3A_137, %dma_start3A_140] : memref<9216x768xf32, #tpu.memory_space<hbm>> -> memref<24x768xf32, #tpu.memory_space<hbm>>
    tpu.enqueue_dma source(%arg11 : memref<24x768xf32, #tpu.memory_space<vmem>>) target(%dma_start3A_141 : memref<24x768xf32, #tpu.memory_space<hbm>>) target_semaphore(%arg23 : memref<!tpu.dma_semaphore, #tpu.memory_space<semaphore_mem>>)
    %dma_wait3A_142 = arith.constant 0 : i32
    %dma_wait3A_143 = tpu.memref_slice %arg4[%add3A_137, %dma_wait3A_142] : memref<9216x768xf32, #tpu.memory_space<hbm>> -> memref<24x768xf32, #tpu.memory_space<hbm>>
    %dma_wait3A_144 = arith.constant 0 : i32
    %dma_wait3A_145 = tpu.memref_slice %arg4[%add3A_137, %dma_wait3A_144] : memref<9216x768xf32, #tpu.memory_space<hbm>> -> memref<24x768xf32, #tpu.memory_space<hbm>>
    tpu.wait_dma2 semaphore(%arg23 : memref<!tpu.dma_semaphore, #tpu.memory_space<semaphore_mem>>) src(%arg11 : memref<24x768xf32, #tpu.memory_space<vmem>>) dst(%dma_wait3A_145 : memref<24x768xf32, #tpu.memory_space<hbm>>)
    %dma_start3A_146 = arith.constant 264 : i32
    %dma_start3A_147 = tpu.memref_slice %arg5[%dma_start3A_146] : memref<288xi32, #tpu.memory_space<vmem>> -> memref<24xi32, #tpu.memory_space<vmem>>
    %dma_start3A_148 = arith.constant 0 : i32
    %dma_start3A_149 = arith.constant 0 : i32
    %dma_start3A_150 = tpu.memref_slice %arg2[%dma_start3A_148, %dma_start3A_149] : memref<36864x768xf32, #tpu.memory_space<hbm>> -> memref<36864x768xf32, #tpu.memory_space<hbm>>
    tpu.enqueue_indirect_dma source(%dma_start3A_150 : memref<36864x768xf32, #tpu.memory_space<hbm>>) target(%arg11 : memref<24x768xf32, #tpu.memory_space<vmem>>) offsets(%dma_start3A_147 : memref<24xi32, #tpu.memory_space<vmem>>) semaphore(%arg17 : memref<!tpu.dma_semaphore, #tpu.memory_space<semaphore_mem>>)
    %dma_wait3A_151 = arith.constant 144 : i32
    %dma_wait3A_152 = tpu.memref_slice %arg5[%dma_wait3A_151] : memref<288xi32, #tpu.memory_space<vmem>> -> memref<24xi32, #tpu.memory_space<vmem>>
    %dma_wait3A_153 = arith.constant 0 : i32
    %dma_wait3A_154 = arith.constant 0 : i32
    %dma_wait3A_155 = tpu.memref_slice %arg2[%dma_wait3A_153, %dma_wait3A_154] : memref<36864x768xf32, #tpu.memory_space<hbm>> -> memref<36864x768xf32, #tpu.memory_space<hbm>>
    tpu.wait_indirect_dma semaphore(%arg12 : memref<!tpu.dma_semaphore, #tpu.memory_space<semaphore_mem>>) src(%dma_wait3A_155 : memref<36864x768xf32, #tpu.memory_space<hbm>>) dst(%arg6 : memref<24x768xf32, #tpu.memory_space<vmem>>)
    %add3A_156 = arith.constant 144 : i32
    %add3A_157 = arith.addi %mul3A_2, %add3A_156 : i32
    %dma_start3A_158 = arith.constant 0 : i32
    %dma_start3A_159 = tpu.memref_slice %arg4[%add3A_157, %dma_start3A_158] : memref<9216x768xf32, #tpu.memory_space<hbm>> -> memref<24x768xf32, #tpu.memory_space<hbm>>
    %dma_start3A_160 = arith.constant 0 : i32
    %dma_start3A_161 = tpu.memref_slice %arg4[%add3A_157, %dma_start3A_160] : memref<9216x768xf32, #tpu.memory_space<hbm>> -> memref<24x768xf32, #tpu.memory_space<hbm>>
    tpu.enqueue_dma source(%arg6 : memref<24x768xf32, #tpu.memory_space<vmem>>) target(%dma_start3A_161 : memref<24x768xf32, #tpu.memory_space<hbm>>) target_semaphore(%arg18 : memref<!tpu.dma_semaphore, #tpu.memory_space<semaphore_mem>>)
    %dma_wait3A_162 = arith.constant 168 : i32
    %dma_wait3A_163 = tpu.memref_slice %arg5[%dma_wait3A_162] : memref<288xi32, #tpu.memory_space<vmem>> -> memref<24xi32, #tpu.memory_space<vmem>>
    %dma_wait3A_164 = arith.constant 0 : i32
    %dma_wait3A_165 = arith.constant 0 : i32
    %dma_wait3A_166 = tpu.memref_slice %arg2[%dma_wait3A_164, %dma_wait3A_165] : memref<36864x768xf32, #tpu.memory_space<hbm>> -> memref<36864x768xf32, #tpu.memory_space<hbm>>
    tpu.wait_indirect_dma semaphore(%arg13 : memref<!tpu.dma_semaphore, #tpu.memory_space<semaphore_mem>>) src(%dma_wait3A_166 : memref<36864x768xf32, #tpu.memory_space<hbm>>) dst(%arg7 : memref<24x768xf32, #tpu.memory_space<vmem>>)
    %add3A_167 = arith.constant 168 : i32
    %add3A_168 = arith.addi %mul3A_2, %add3A_167 : i32
    %dma_start3A_169 = arith.constant 0 : i32
    %dma_start3A_170 = tpu.memref_slice %arg4[%add3A_168, %dma_start3A_169] : memref<9216x768xf32, #tpu.memory_space<hbm>> -> memref<24x768xf32, #tpu.memory_space<hbm>>
    %dma_start3A_171 = arith.constant 0 : i32
    %dma_start3A_172 = tpu.memref_slice %arg4[%add3A_168, %dma_start3A_171] : memref<9216x768xf32, #tpu.memory_space<hbm>> -> memref<24x768xf32, #tpu.memory_space<hbm>>
    tpu.enqueue_dma source(%arg7 : memref<24x768xf32, #tpu.memory_space<vmem>>) target(%dma_start3A_172 : memref<24x768xf32, #tpu.memory_space<hbm>>) target_semaphore(%arg19 : memref<!tpu.dma_semaphore, #tpu.memory_space<semaphore_mem>>)
    %dma_wait3A_173 = arith.constant 192 : i32
    %dma_wait3A_174 = tpu.memref_slice %arg5[%dma_wait3A_173] : memref<288xi32, #tpu.memory_space<vmem>> -> memref<24xi32, #tpu.memory_space<vmem>>
    %dma_wait3A_175 = arith.constant 0 : i32
    %dma_wait3A_176 = arith.constant 0 : i32
    %dma_wait3A_177 = tpu.memref_slice %arg2[%dma_wait3A_175, %dma_wait3A_176] : memref<36864x768xf32, #tpu.memory_space<hbm>> -> memref<36864x768xf32, #tpu.memory_space<hbm>>
    tpu.wait_indirect_dma semaphore(%arg14 : memref<!tpu.dma_semaphore, #tpu.memory_space<semaphore_mem>>) src(%dma_wait3A_177 : memref<36864x768xf32, #tpu.memory_space<hbm>>) dst(%arg8 : memref<24x768xf32, #tpu.memory_space<vmem>>)
    %add3A_178 = arith.constant 192 : i32
    %add3A_179 = arith.addi %mul3A_2, %add3A_178 : i32
    %dma_start3A_180 = arith.constant 0 : i32
    %dma_start3A_181 = tpu.memref_slice %arg4[%add3A_179, %dma_start3A_180] : memref<9216x768xf32, #tpu.memory_space<hbm>> -> memref<24x768xf32, #tpu.memory_space<hbm>>
    %dma_start3A_182 = arith.constant 0 : i32
    %dma_start3A_183 = tpu.memref_slice %arg4[%add3A_179, %dma_start3A_182] : memref<9216x768xf32, #tpu.memory_space<hbm>> -> memref<24x768xf32, #tpu.memory_space<hbm>>
    tpu.enqueue_dma source(%arg8 : memref<24x768xf32, #tpu.memory_space<vmem>>) target(%dma_start3A_183 : memref<24x768xf32, #tpu.memory_space<hbm>>) target_semaphore(%arg20 : memref<!tpu.dma_semaphore, #tpu.memory_space<semaphore_mem>>)
    %dma_wait3A_184 = arith.constant 216 : i32
    %dma_wait3A_185 = tpu.memref_slice %arg5[%dma_wait3A_184] : memref<288xi32, #tpu.memory_space<vmem>> -> memref<24xi32, #tpu.memory_space<vmem>>
    %dma_wait3A_186 = arith.constant 0 : i32
    %dma_wait3A_187 = arith.constant 0 : i32
    %dma_wait3A_188 = tpu.memref_slice %arg2[%dma_wait3A_186, %dma_wait3A_187] : memref<36864x768xf32, #tpu.memory_space<hbm>> -> memref<36864x768xf32, #tpu.memory_space<hbm>>
    tpu.wait_indirect_dma semaphore(%arg15 : memref<!tpu.dma_semaphore, #tpu.memory_space<semaphore_mem>>) src(%dma_wait3A_188 : memref<36864x768xf32, #tpu.memory_space<hbm>>) dst(%arg9 : memref<24x768xf32, #tpu.memory_space<vmem>>)
    %add3A_189 = arith.constant 216 : i32
    %add3A_190 = arith.addi %mul3A_2, %add3A_189 : i32
    %dma_start3A_191 = arith.constant 0 : i32
    %dma_start3A_192 = tpu.memref_slice %arg4[%add3A_190, %dma_start3A_191] : memref<9216x768xf32, #tpu.memory_space<hbm>> -> memref<24x768xf32, #tpu.memory_space<hbm>>
    %dma_start3A_193 = arith.constant 0 : i32
    %dma_start3A_194 = tpu.memref_slice %arg4[%add3A_190, %dma_start3A_193] : memref<9216x768xf32, #tpu.memory_space<hbm>> -> memref<24x768xf32, #tpu.memory_space<hbm>>
    tpu.enqueue_dma source(%arg9 : memref<24x768xf32, #tpu.memory_space<vmem>>) target(%dma_start3A_194 : memref<24x768xf32, #tpu.memory_space<hbm>>) target_semaphore(%arg21 : memref<!tpu.dma_semaphore, #tpu.memory_space<semaphore_mem>>)
    %dma_wait3A_195 = arith.constant 240 : i32
    %dma_wait3A_196 = tpu.memref_slice %arg5[%dma_wait3A_195] : memref<288xi32, #tpu.memory_space<vmem>> -> memref<24xi32, #tpu.memory_space<vmem>>
    %dma_wait3A_197 = arith.constant 0 : i32
    %dma_wait3A_198 = arith.constant 0 : i32
    %dma_wait3A_199 = tpu.memref_slice %arg2[%dma_wait3A_197, %dma_wait3A_198] : memref<36864x768xf32, #tpu.memory_space<hbm>> -> memref<36864x768xf32, #tpu.memory_space<hbm>>
    tpu.wait_indirect_dma semaphore(%arg16 : memref<!tpu.dma_semaphore, #tpu.memory_space<semaphore_mem>>) src(%dma_wait3A_199 : memref<36864x768xf32, #tpu.memory_space<hbm>>) dst(%arg10 : memref<24x768xf32, #tpu.memory_space<vmem>>)
    %add3A_200 = arith.constant 240 : i32
    %add3A_201 = arith.addi %mul3A_2, %add3A_200 : i32
    %dma_start3A_202 = arith.constant 0 : i32
    %dma_start3A_203 = tpu.memref_slice %arg4[%add3A_201, %dma_start3A_202] : memref<9216x768xf32, #tpu.memory_space<hbm>> -> memref<24x768xf32, #tpu.memory_space<hbm>>
    %dma_start3A_204 = arith.constant 0 : i32
    %dma_start3A_205 = tpu.memref_slice %arg4[%add3A_201, %dma_start3A_204] : memref<9216x768xf32, #tpu.memory_space<hbm>> -> memref<24x768xf32, #tpu.memory_space<hbm>>
    tpu.enqueue_dma source(%arg10 : memref<24x768xf32, #tpu.memory_space<vmem>>) target(%dma_start3A_205 : memref<24x768xf32, #tpu.memory_space<hbm>>) target_semaphore(%arg22 : memref<!tpu.dma_semaphore, #tpu.memory_space<semaphore_mem>>)
    %dma_wait3A_206 = arith.constant 264 : i32
    %dma_wait3A_207 = tpu.memref_slice %arg5[%dma_wait3A_206] : memref<288xi32, #tpu.memory_space<vmem>> -> memref<24xi32, #tpu.memory_space<vmem>>
    %dma_wait3A_208 = arith.constant 0 : i32
    %dma_wait3A_209 = arith.constant 0 : i32
    %dma_wait3A_210 = tpu.memref_slice %arg2[%dma_wait3A_208, %dma_wait3A_209] : memref<36864x768xf32, #tpu.memory_space<hbm>> -> memref<36864x768xf32, #tpu.memory_space<hbm>>
    tpu.wait_indirect_dma semaphore(%arg17 : memref<!tpu.dma_semaphore, #tpu.memory_space<semaphore_mem>>) src(%dma_wait3A_210 : memref<36864x768xf32, #tpu.memory_space<hbm>>) dst(%arg11 : memref<24x768xf32, #tpu.memory_space<vmem>>)
    %add3A_211 = arith.constant 264 : i32
    %add3A_212 = arith.addi %mul3A_2, %add3A_211 : i32
    %dma_start3A_213 = arith.constant 0 : i32
    %dma_start3A_214 = tpu.memref_slice %arg4[%add3A_212, %dma_start3A_213] : memref<9216x768xf32, #tpu.memory_space<hbm>> -> memref<24x768xf32, #tpu.memory_space<hbm>>
    %dma_start3A_215 = arith.constant 0 : i32
    %dma_start3A_216 = tpu.memref_slice %arg4[%add3A_212, %dma_start3A_215] : memref<9216x768xf32, #tpu.memory_space<hbm>> -> memref<24x768xf32, #tpu.memory_space<hbm>>
    tpu.enqueue_dma source(%arg11 : memref<24x768xf32, #tpu.memory_space<vmem>>) target(%dma_start3A_216 : memref<24x768xf32, #tpu.memory_space<hbm>>) target_semaphore(%arg23 : memref<!tpu.dma_semaphore, #tpu.memory_space<semaphore_mem>>)
    %dma_wait3A_217 = arith.constant 0 : i32
    %dma_wait3A_218 = tpu.memref_slice %arg4[%add3A_157, %dma_wait3A_217] : memref<9216x768xf32, #tpu.memory_space<hbm>> -> memref<24x768xf32, #tpu.memory_space<hbm>>
    %dma_wait3A_219 = arith.constant 0 : i32
    %dma_wait3A_220 = tpu.memref_slice %arg4[%add3A_157, %dma_wait3A_219] : memref<9216x768xf32, #tpu.memory_space<hbm>> -> memref<24x768xf32, #tpu.memory_space<hbm>>
    tpu.wait_dma2 semaphore(%arg18 : memref<!tpu.dma_semaphore, #tpu.memory_space<semaphore_mem>>) src(%arg6 : memref<24x768xf32, #tpu.memory_space<vmem>>) dst(%dma_wait3A_220 : memref<24x768xf32, #tpu.memory_space<hbm>>)
    %dma_wait3A_221 = arith.constant 0 : i32
    %dma_wait3A_222 = tpu.memref_slice %arg4[%add3A_168, %dma_wait3A_221] : memref<9216x768xf32, #tpu.memory_space<hbm>> -> memref<24x768xf32, #tpu.memory_space<hbm>>
    %dma_wait3A_223 = arith.constant 0 : i32
    %dma_wait3A_224 = tpu.memref_slice %arg4[%add3A_168, %dma_wait3A_223] : memref<9216x768xf32, #tpu.memory_space<hbm>> -> memref<24x768xf32, #tpu.memory_space<hbm>>
    tpu.wait_dma2 semaphore(%arg19 : memref<!tpu.dma_semaphore, #tpu.memory_space<semaphore_mem>>) src(%arg7 : memref<24x768xf32, #tpu.memory_space<vmem>>) dst(%dma_wait3A_224 : memref<24x768xf32, #tpu.memory_space<hbm>>)
    %dma_wait3A_225 = arith.constant 0 : i32
    %dma_wait3A_226 = tpu.memref_slice %arg4[%add3A_179, %dma_wait3A_225] : memref<9216x768xf32, #tpu.memory_space<hbm>> -> memref<24x768xf32, #tpu.memory_space<hbm>>
    %dma_wait3A_227 = arith.constant 0 : i32
    %dma_wait3A_228 = tpu.memref_slice %arg4[%add3A_179, %dma_wait3A_227] : memref<9216x768xf32, #tpu.memory_space<hbm>> -> memref<24x768xf32, #tpu.memory_space<hbm>>
    tpu.wait_dma2 semaphore(%arg20 : memref<!tpu.dma_semaphore, #tpu.memory_space<semaphore_mem>>) src(%arg8 : memref<24x768xf32, #tpu.memory_space<vmem>>) dst(%dma_wait3A_228 : memref<24x768xf32, #tpu.memory_space<hbm>>)
    %dma_wait3A_229 = arith.constant 0 : i32
    %dma_wait3A_230 = tpu.memref_slice %arg4[%add3A_190, %dma_wait3A_229] : memref<9216x768xf32, #tpu.memory_space<hbm>> -> memref<24x768xf32, #tpu.memory_space<hbm>>
    %dma_wait3A_231 = arith.constant 0 : i32
    %dma_wait3A_232 = tpu.memref_slice %arg4[%add3A_190, %dma_wait3A_231] : memref<9216x768xf32, #tpu.memory_space<hbm>> -> memref<24x768xf32, #tpu.memory_space<hbm>>
    tpu.wait_dma2 semaphore(%arg21 : memref<!tpu.dma_semaphore, #tpu.memory_space<semaphore_mem>>) src(%arg9 : memref<24x768xf32, #tpu.memory_space<vmem>>) dst(%dma_wait3A_232 : memref<24x768xf32, #tpu.memory_space<hbm>>)
    %dma_wait3A_233 = arith.constant 0 : i32
    %dma_wait3A_234 = tpu.memref_slice %arg4[%add3A_201, %dma_wait3A_233] : memref<9216x768xf32, #tpu.memory_space<hbm>> -> memref<24x768xf32, #tpu.memory_space<hbm>>
    %dma_wait3A_235 = arith.constant 0 : i32
    %dma_wait3A_236 = tpu.memref_slice %arg4[%add3A_201, %dma_wait3A_235] : memref<9216x768xf32, #tpu.memory_space<hbm>> -> memref<24x768xf32, #tpu.memory_space<hbm>>
    tpu.wait_dma2 semaphore(%arg22 : memref<!tpu.dma_semaphore, #tpu.memory_space<semaphore_mem>>) src(%arg10 : memref<24x768xf32, #tpu.memory_space<vmem>>) dst(%dma_wait3A_236 : memref<24x768xf32, #tpu.memory_space<hbm>>)
    %dma_wait3A_237 = arith.constant 0 : i32
    %dma_wait3A_238 = tpu.memref_slice %arg4[%add3A_212, %dma_wait3A_237] : memref<9216x768xf32, #tpu.memory_space<hbm>> -> memref<24x768xf32, #tpu.memory_space<hbm>>
    %dma_wait3A_239 = arith.constant 0 : i32
    %dma_wait3A_240 = tpu.memref_slice %arg4[%add3A_212, %dma_wait3A_239] : memref<9216x768xf32, #tpu.memory_space<hbm>> -> memref<24x768xf32, #tpu.memory_space<hbm>>
    tpu.wait_dma2 semaphore(%arg23 : memref<!tpu.dma_semaphore, #tpu.memory_space<semaphore_mem>>) src(%arg11 : memref<24x768xf32, #tpu.memory_space<vmem>>) dst(%dma_wait3A_240 : memref<24x768xf32, #tpu.memory_space<hbm>>)
    return
  }
}

</mosaic_0001>

<sc_bundles>
// kernel: kernel.3.cloned.1.call-start
scs
__scs_entry_jumppad:
0x0: {  	(pc) =	sbr.rel $0x88, $3  }
0x1: {  	(tag) =	ssettag $0x0;
	lr =	simm.s32 $0x1  }
0x2: {  	[smem:$0x3FA0] =	sst lr;
	_ =	strace $0xD0000000  }
0x3: {  	_ = 	snop  }
0x4: {  	_ = 	snop  }
0x5: {  	_ = 	snop  }
0x6: {  	_ = 	snop  }
0x7: {  	_ = 	snop  }
__scs_overlays_trampoline_lowered:
0x8: {  	[smem:$0x3FAF] =	sst s0  }
0x9: {  	[smem:$0x3FB0] =	sst s1  }
0xa: {  	[smem:$0x3FB1] =	sst s2  }
0xb: {  	[smem:$0x3FB2] =	sst s3  }
0xc: {  	[smem:$0x3FB3] =	sst s4  }
0xd: {  	[smem:$0x3FB4] =	sst s5  }
0xe: {  	[smem:$0x3FB5] =	sst s6  }
0xf: {  	[smem:$0x3FB6] =	sst s7  }
0x10: {  	[smem:$0x3FB7] =	sst s8  }
0x11: {  	[smem:$0x3FB8] =	sst s9;
	s0 =	simm.s32 @!p0 $0x0  }
0x12: {  	s1 =	sld [smem:$0x3F9E];
	s0 =	simm.s32 @p0 $0x1  }
0x13: {  	[smem:$0x3FB9] =	sst s0;
	s0 =	simm.s32 @!p1 $0x0  }
0x14: {  	s2 =	sld [smem:$0x3F9D];
	s0 =	simm.s32 @p1 $0x1  }
0x15: {  	[smem:$0x3FBA] =	sst s0;
	s0 =	simm.s32 @!p2 $0x0  }
0x16: {  	s3 =	sld [smem:$0x3FDB];
	s0 =	simm.s32 @p2 $0x1  }
0x17: {  	s4 =	simm.s32 $0x1BF5;
	[smem:$0x3FBC] =	sst s0  }
0x18: {  	s0 =	sld [smem:$0x3F9F];
	_ =	swait.ge [sflag:s4], $0x0  }
0x19: {  	s7 =	sld [smem:$0x3FA0]  }
0x1a: {  	s8 =	sadd.s32 $0xFFFFE003, lr  }
0x1b: {  	s9 =	sadd.s32 $0xFFFFFEF7, lr;
	s5 =	simm.s32 $0xFFFFFFFF;
	p2 =	slt.u32 s8, $0xFFFFF086  }
0x1c: {  	p1 =	slt.u32 s9, $0xF7A;
	s5 =	simm.s32 @!p2 $0x0  }
0x1d: {  	s5 =	simm.s32 @p1 $0x1;
	p0 =	seq.s32 s7, s2  }
0x1e: {  	s7 =	smul.u32 @!p0 $0xF7A, s2;
	p2 =	seq.s32 @!p0 s5, $0x0  }
0x1f: {  	s9 =	smul.u32 $0xF7A, s1;
	s8 =	simm.s32 @!p0 $0x1BF5;
	p2 =	por !p2, p0  }
0x20: {  	[sflag:s8] =	ssyncset.s32 @!p0 $0xFFFFF086;
	s6 =	sadd.s32 @!p0 s3, s7;
	s7 =	simm.s32 @!p0 $0x108  }
0x21: {  	s3 =	sadd.s32 s3, s9;
	s6 =	sadd.s32 @!p0 $0x88, s6;
	s7 =	simm.s32 @p2 $0x1082  }
0x22: {  	[simem:s7], [sflag:s8] =	dma.local @!p0 [hbm:s6], $0xF7A  }
0x23: {  	s9 =	sor.u32 $0xD0000000, s2;
	s6 =	simm.s32 $0x108;
	_ =	swait.ge @!p0 [sflag:s8], $0x0  }
0x24: {  	s3 =	sadd.s32 $0x88, s3;
	s6 =	simm.s32 @!p1 $0x1082;
	[sflag:s4] =	ssyncset.s32 $0xFFFFF086  }
0x25: {  	[simem:s6], [sflag:s4] =	dma.local [hbm:s3], $0xF7A  }
0x26: {  	[smem:$0x3FA0] =	sst s1;
	(tag) =	ssettag s2;
	_ =	strace s9  }
0x27: {  	s1 =	sld [smem:$0x3FB0]  }
0x28: {  	s2 =	sld [smem:$0x3FB1]  }
0x29: {  	s4 =	sld [smem:$0x3FB3]  }
0x2a: {  	p0 =	seq.s32 s5, $0x0;
	s5 =	sld [smem:$0x3FB4]  }
0x2b: {  	s6 =	sld [smem:$0x3FB5]  }
0x2c: {  	s7 =	sld [smem:$0x3FB6]  }
0x2d: {  	s3 =	simm.s32 $0x108;
	s8 =	sld [smem:$0x3FB7]  }
0x2e: {  	s3 =	simm.s32 @!p0 $0x1082;
	s9 =	sld [smem:$0x3FB8]  }
0x2f: {  	lr =	sadd.s32 s0, s3;
	s0 =	sld [smem:$0x3FAF]  }
0x30: {  	s3 =	sld [smem:$0x3FB2]  }
0x31: {  	[smem:$0x3FBB] =	sst s10  }
0x32: {  	s10 =	sld [smem:$0x3FB9];
	_ =	sdelay $0x3  }
0x33: {  	p0 =	seq.s32 s10, $0x1;
	s10 =	sld [smem:$0x3FBB];
	_ =	sdelay $0x3  }
0x34: {  	[smem:$0x3FBB] =	sst s10  }
0x35: {  	s10 =	sld [smem:$0x3FBA];
	_ =	sdelay $0x3  }
0x36: {  	p1 =	seq.s32 s10, $0x1;
	s10 =	sld [smem:$0x3FBB];
	_ =	sdelay $0x3  }
0x37: {  	[smem:$0x3FBB] =	sst s10  }
0x38: {  	s10 =	sld [smem:$0x3FBC]  }
0x39: {  	_ = 	snop;
	(pc) =	sbr.ind lr, $3  }
0x3a: {  	_ = 	snop  }
0x3b: {  	_ = 	snop  }
0x3c: {  	p2 =	seq.s32 s10, $0x1;
	s10 =	sld [smem:$0x3FBB]  }
0x3d: {  	_ =	shalt  }
0x3e: {  	_ =	shalt  }
0x3f: {  	_ =	shalt  }
0x40: {  	_ =	shalt  }
0x41: {  	_ =	shalt  }
0x42: {  	_ =	shalt  }
0x43: {  	_ =	shalt  }
0x44: {  	_ =	shalt  }
0x45: {  	_ =	shalt  }
0x46: {  	_ =	shalt  }
0x47: {  	_ =	shalt  }
0x48: {  	_ =	shalt  }
0x49: {  	_ =	shalt  }
0x4a: {  	_ =	shalt  }
0x4b: {  	_ =	shalt  }
0x4c: {  	_ =	shalt  }
0x4d: {  	_ =	shalt  }
0x4e: {  	_ =	shalt  }
0x4f: {  	_ =	shalt  }
0x50: {  	_ =	shalt  }
0x51: {  	_ =	shalt  }
0x52: {  	_ =	shalt  }
0x53: {  	_ =	shalt  }
0x54: {  	_ =	shalt  }
0x55: {  	_ =	shalt  }
0x56: {  	_ =	shalt  }
0x57: {  	_ =	shalt  }
0x58: {  	_ =	shalt  }
0x59: {  	_ =	shalt  }
0x5a: {  	_ =	shalt  }
0x5b: {  	_ =	shalt  }
0x5c: {  	_ =	shalt  }
0x5d: {  	_ =	shalt  }
0x5e: {  	_ =	shalt  }
0x5f: {  	_ =	shalt  }
0x60: {  	_ =	shalt  }
0x61: {  	_ =	shalt  }
0x62: {  	_ =	shalt  }
0x63: {  	_ =	shalt  }
0x64: {  	_ =	shalt  }
0x65: {  	_ =	shalt  }
0x66: {  	_ =	shalt  }
0x67: {  	_ =	shalt  }
0x68: {  	_ =	shalt  }
0x69: {  	_ =	shalt  }
0x6a: {  	_ =	shalt  }
0x6b: {  	_ =	shalt  }
0x6c: {  	_ =	shalt  }
0x6d: {  	_ =	shalt  }
0x6e: {  	_ =	shalt  }
0x6f: {  	_ =	shalt  }
0x70: {  	_ =	shalt  }
0x71: {  	_ =	shalt  }
0x72: {  	_ =	shalt  }
0x73: {  	_ =	shalt  }
0x74: {  	_ =	shalt  }
0x75: {  	_ =	shalt  }
0x76: {  	_ =	shalt  }
0x77: {  	_ =	shalt  }
0x78: {  	_ =	shalt  }
0x79: {  	_ =	shalt  }
0x7a: {  	_ =	shalt  }
0x7b: {  	_ =	shalt  }
0x7c: {  	_ =	shalt  }
0x7d: {  	_ =	shalt  }
0x7e: {  	_ =	shalt  }
0x7f: {  	_ =	shalt  }
0x80: {  	_ =	shalt  }
0x81: {  	_ =	shalt  }
0x82: {  	_ =	shalt  }
0x83: {  	_ =	shalt  }
0x84: {  	_ =	shalt  }
0x85: {  	_ =	shalt  }
0x86: {  	_ =	shalt  }
0x87: {  	_ =	shalt  }
.Lfunc_end0:
.L_simem_size_0:
called_computation_lowered:
.L_overlay_start_0:
0x88: {  	s2 =	sld [smem:$0x3FD9]  }
0x89: {  	s3 =	sld [smem:$0x3FFE];
	_ =	sdelay $0x1  }
0x8a: {  	s1 =	srdreg.scid  }
0x8b: {  	s0 =	sand.u32 $0x1, s1  }
0x8c: {  	s15 =	sshll.u32 s0, $0xA;
	s2 =	sadd.s32 s3, s2  }
0x8d: {  	s2 =	sadd.s32 s2, s15  }
0x8e: {  	[smem:$0x3FC7] =	sst s2  }
0x8f: {  	_ = 	snop  }
0x90: {  	s2 =	sld [smem:$0x3FD0];
	_ =	sdelay $0x2  }
0x91: {  	s4 =	simm.s32 $0xA;
	s5 =	simm.s32 $0x10;
	s16 =	sld [smem:$0x3FC9]  }
0x92: {  	[smem:s5], [sflag:s4] =	dma.local [hbm:s2], $0x1  }
0x93: {  	_ =	swait.eq [sflag:s4], $0x1  }
0x94: {  	[sflag:s4] =	ssyncset.done $0x0  }
0x95: {  	s17 =	sld [smem:$0x10];
	[sflag:s4] =	ssyncadd.s32 $0xFFFFFFFF  }
0x96: {  	s18 =	sld [smem:$0x12];
	(tm) =	ssettm $0x1  }
0x97: {  	s19 =	sld [smem:$0x3FFB];
	_ =	sdelay $0x3  }
0x98: {  	_ =	strace s19  }
0x99: {  	s5 =	sld [smem:$0x3FFC];
	_ =	sdelay $0x3  }
0x9a: {  	_ =	strace s5  }
0x9b: {  	s5 =	sld [smem:$0x3FFD];
	_ =	sdelay $0x3  }
0x9c: {  	_ =	strace s5  }
0x9d: {  	_ =	strace $0x8FFFFFFF  }
0x9e: {  	s20 =	sld [smem:$0x3FDB];
	_ =	sdelay $0x1  }
0x9f: {  	s6 =	simm.s32 $_scs_section_size  }
0xa0: {  	s7 =	simm.s32 $_size__tile_overlayer_lowered;
	s8 =	simm.s32 $_tile_overlayer_lowered  }
0xa1: {  	s23 =	simm.s32 $0x1BFF;
	s22 =	sshll.u32 s8, $0x1;
	s5 =	sadd.s32 s6, s20  }
0xa2: {  	s9 =	simm.s32 $0x0;
	s21 =	sshll.u32 s7, $0x1;
	s7 =	sadd.s32 s22, s5  }
0xa3: {  	[timem:s9], [sflag:s23] =	dma.local [hbm:s7], s21  }
0xa4: {  	_ =	swait.ge [sflag:s23], s21  }
0xa5: {  	s6 =	ssub.s32 $0x0, s21;
	[sflag:s23] =	ssyncset.done $0x0  }
0xa6: {  	[sflag:s23] =	ssyncadd.s32 s6;
	_ =	sdelay $0x1  }
0xa7: {  	s24 =	simm.s32 $0x1B8B  }
0xa8: {  	_ =	swait.ge [sflag:s24], $0x1  }
0xa9: {  	[sflag:s24] =	ssyncset.done $0x0  }
0xaa: {  	s25 =	simm.s32 $0x1B8E;
	[sflag:s24] =	ssyncadd.s32 $0xFFFFFFFF  }
0xab: {  	s26 =	simm.s32 $execute0_lowered;
	[smem:$0x3FD2] =	sst s25  }
0xac: {  	s6 =	sshll.u32 s26, $0x1;
	_ =	strace $0x80000046;
	[dreg:$0x1] =	wrdreg $0xFFFFFFFF  }
0xad: {  	s28 =	simm.s32 $_size_execute0_lowered;
	s5 =	sadd.s32 s5, s6;
	[dreg:$0x0] =	wrdreg $0x0  }
0xae: {  	s6 =	sshll.u32 s28, $0x1;
	[dreg:$0x2] =	wrdreg s5  }
0xaf: {  	[dreg:$0x3] =	wrdreg s6  }
0xb0: {  	[dreg:$0x4] =	wrdreg $0xC0  }
0xb1: {  	_ =	task [dreg:s9], $0x5FFFF  }
0xb2: {  	[dreg:$0x1] =	wrdreg $0xFFFFFFFF  }
0xb3: {  	[dreg:$0x0] =	wrdreg $0x60  }
0xb4: {  	[dreg:$0x2] =	wrdreg s16  }
0xb5: {  	[dreg:$0x3] =	wrdreg s18  }
0xb6: {  	[dreg:$0x4] =	wrdreg s17  }
0xb7: {  	[dreg:$0x5] =	wrdreg $0x9  }
0xb8: {  	_ =	task.clear_ibuf [dreg:s9], $0x6FFFF;
	_ =	strace $0x90000046  }
0xb9: {  	s29 =	simm.s32 $0x9;
	_ =	strace $0x80000048  }
0xba: {  	_ =	swait.ge [sflag:s29], $0x1  }
0xbb: {  	[sflag:s29] =	ssyncadd.s32 $0xFFFFFFFF  }
0xbc: {  	_ =	strace $0x90000048  }
0xbd: {  	_ =	sfence  }
0xbe: {  	s30 =	sld [smem:$0x0];
	_ =	sdelay $0x2  }
0xbf: {  	s31 =	sshll.u32 s1, $0xD;
	s1 =	sshrl.u32 s1, $0x2  }
0xc0: {  	s3 =	sand.u32 $0x4000, s31;
	s1 =	sadd.s32 s1, s30  }
0xc1: {  	s0 =	sor.u32 s3, s0;
	s1 =	sshll.u32 s1, $0x11  }
0xc2: {  	s0 =	sor.u32 s1, s0  }
0xc3: {  	s0 =	sadd.s32 $0x8F2B, s0  }
0xc4: {  	[sflag:s0] =	ssyncadd.remote.s32 $0x1  }
0xc5: {  	_ =	sfence.sel $0xFFFF  }
0xc6: {  	[dreg:$0x0] =	wrdreg $0xFFFFFFFF;
	(pc) =	sbr.abs _section_cstart, $3  }
0xc7: {  	[dreg:$0x1] =	wrdreg $0xFFFFFFFF  }
0xc8: {  	_ =	task.clear_ibuf [dreg:s9], $0x2FFFF;
	_ =	strace $0x9FFFFFFF  }
0xc9: {  	(tm) =	ssettm $0x7FFFFFFF  }
tec
execute0_lowered:
.L_overlay_start_1:
0x0: {  	(tag) =	ssettag $0x1  }
0x1: {  	s1 =	rddreg [dreg:$0x0]  }
0x2: {  	s0 =	srdreg.scid;
	s4 =	rddreg [dreg:$0x1]  }
0x3: {  	s3 =	stileid.u32;
	s6 =	rddreg [dreg:$0x2]  }
0x4: {  	s28 =	simm.s32 $0x9180;
	s30 =	simm.s32 $0xA980;
	s31 =	simm.s32 $0xB180  }
0x5: {  	s0 =	sand.u32 $0x1, s0;
	s2 =	sshll.u32 s3, $0x1;
	s3 =	sshrl.u32 s3, $0x2  }
0x6: {  	s2 =	sor.u32 s0, s2;
	s7 =	smul.u32 $0xC00, s3;
	s3 =	simm.s32 $0x0  }
0x7: {  	s5 =	smul.u32 $0x120, s2;
	s2 =	sshll.u32 s2, $0x7;
	[smem:$0x7FF] =	sst s3  }
0x8: {  	s0 =	ssub.s32 $0x2, s0;
	s2 =	sand.u32 $0x380, s2;
	_ =	strace $0x80000047  }
0x9: {  	s2 =	sor.u32 s7, s2;
	s20 =	sshrl.u32 s5, $0x3;
	s23 =	sadd.s32 $0x48, s5  }
0xa: {  	s26 =	sadd.s32 $0x78, s5;
	s14 =	sadd.s32 $0xA8, s5;
	s17 =	sadd.s32 $0xD8, s5  }
0xb: {  	s5 =	sadd.s32 $0x108, s5;
	s2 =	sshrl.u32 s2, $0x3;
	s8 =	smul.u32 $0x1800, s20  }
0xc: {  	s21 =	smul.u32 $0x300, s20;
	s25 =	sshrl.u32 s23, $0x3;
	s7 =	sshrl.u32 s26, $0x3  }
0xd: {  	s15 =	sshrl.u32 s14, $0x3;
	s18 =	sshrl.u32 s17, $0x3;
	s5 =	sshrl.u32 s5, $0x3  }
0xe: {  	s26 =	simm.s32 $0x400;
	s2 =	sadd.s32 s4, s2;
	s4 =	smul.u32 $0x300, s25  }
0xf: {  	s11 =	smul.u32 $0x300, s7;
	s25 =	simm.s32 $0x80;
	[dreg:$0x11] =	wrdreg s26  }
0x10: {  	s26 =	simm.s32 $0x5180;
	[dreg:$0x4] =	wrdreg s2;
	s22 =	sshrl.u32 s8, $0x3  }
0x11: {  	s24 =	sadd.s32 s6, s21;
	s21 =	smul.u32 $0x300, s5;
	[dreg:$0x10] =	wrdreg s25  }
0x12: {  	s5 =	sadd.s32 $0x100, s1;
	s9 =	sadd.s32 $0x1200, s24;
	[dreg:$0x12] =	wrdreg s24  }
0x13: {  	s25 =	simm.s32 $0x8980;
	s10 =	sadd.s32 s6, s4;
	[dreg:$0x6] =	wrdreg s9  }
0x14: {  	s8 =	simm.s32 $0x12180;
	s12 =	sadd.s32 $0x2400, s24;
	[dreg:$0x7] =	wrdreg s10  }
0x15: {  	s2 =	sadd.s32 s6, s22;
	s13 =	sadd.s32 s6, s11;
	[dreg:$0x8] =	wrdreg s12  }
0x16: {  	s16 =	sadd.s32 $0x3600, s24;
	s4 =	smul.u32 $0x300, s18;
	[dreg:$0x9] =	wrdreg s13  }
0x17: {  	s19 =	sadd.s32 $0x4800, s24;
	s22 =	sshrl.u32 s0, $0x1;
	[dreg:$0xa] =	wrdreg s16  }
0x18: {  	s23 =	sadd.s32 $0x5A00, s24;
	s2 =	sadd.s32 $0x900, s2;
	[dreg:$0xc] =	wrdreg s19  }
0x19: {  	s0 =	ssub.s32 s0, s22;
	[dreg:$0xe] =	wrdreg s23;
	s24 =	sadd.s32 s6, s21  }
0x1a: {  	s23 =	simm.s32 $0x5980;
	s21 =	simm.s32 $0x7180;
	s22 =	simm.s32 $0x7980  }
0x1b: {  	s13 =	simm.s32 $0xD980;
	[dreg:$0x5] =	wrdreg s2;
	s2 =	smul.u32 $0x300, s15  }
0x1c: {  	v2 =	vlaneseq.u32;
	s20 =	sadd.s32 s6, s4;
	[dreg:$0xf] =	wrdreg s24;
	s29 =	smax.u32 s0, $0x1  }
0x1d: {  	vm0 =	vmmov $0xffff;
	v1 =	vshrl.u32 v2, $0x3;
	s24 =	simm.s32 $0x8180;
	[dreg:$0xd] =	wrdreg s20;
	s2 =	sadd.s32 s6, s2  }
0x1e: {  	v0 =	vand.u32 $0x7, v2;
	v2 =	vor.u32 $0x8, v2;
	v1 =	vmul.u32 $0x8, v1;
	s6 =	sadd.s32 $0x200, s1;
	[dreg:$0xb] =	wrdreg s2;
	s2 =	simm.s32 $0x7  }
.LBB2_1:
0x1f: {  	s12 =	rddreg [dreg:$0x4]  }
0x20: {  	s14 =	rddreg [dreg:$0x10]  }
0x21: {  	s15 =	rddreg [dreg:$0x11];
	s4 =	simm.s32 $0xD  }
0x22: {  	[tilespmem:s3], [sflag:$0xD] =	stream.strided.gather [hbm4b:s12+s14], $0x180, s15, s14, $0x38;
	[tilespmem:$0x1B180] =	vst v63  }
0x23: {  	_ =	swait.ge [sflag:s4], $0x180  }
0x24: {  	[sflag:s4] =	ssyncset.done $0x0  }
0x25: {  	[sflag:s4] =	ssyncadd.s32 $0xFFFFFE80  }
0x26: {  	v3 =	vld [tilespmem:$0x0];
	_ =	sdelay $0x4  }
0x27: {  	v4 =	vshrl.u32 v3, $0x3  }
0x28: {  	v4 =	vmul.u32 $0x30, v4  }
0x29: {  	v3 =	vand.u32 $0x7, v3  }
0x2a: {  	v3 =	vor.u32 v3, v4  }
0x2b: {  	v4 =	vperm.xlane v3, v0;
	_ =	sdelay $0x1  }
0x2c: {  	v4 =	vadd.s32 v1, v4;
	_ =	sdelay $0x3  }
0x2d: {  	s0 =	simm.s32 $0x180;
	v3 =	vperm.xlane v3, v2  }
0x2e: {  	[tilespmem:s0], [sflag:$0x1] =	stream.indirect_vreg.gather [hbm4b:s1+s3], $0x80, v4, vm0, $0xb8;
	[tilespmem:$0x1B180] =	vst v63  }
0x2f: {  	s14 =	simm.s32 $0x980;
	v3 =	vadd.s32 v1, v3  }
0x30: {  	[tilespmem:s14], [sflag:$0x1] =	stream.indirect_vreg.gather [hbm4b:s5+s3], $0x80, v4, vm0, $0xb8;
	[tilespmem:$0x1B180] =	vst v63  }
0x31: {  	s15 =	simm.s32 $0x1180  }
0x32: {  	[tilespmem:s15], [sflag:$0x1] =	stream.indirect_vreg.gather [hbm4b:s6+s3], $0x80, v4, vm0, $0xb8;
	[tilespmem:$0x1B180] =	vst v63  }
0x33: {  	s16 =	simm.s32 $0x1980  }
0x34: {  	[tilespmem:s16], [sflag:$0x1] =	stream.indirect_vreg.gather [hbm4b:s1+s3], $0x80, v3, vm0, $0xb8;
	[tilespmem:$0x1B180] =	vst v63  }
0x35: {  	s17 =	simm.s32 $0x2180  }
0x36: {  	[tilespmem:s17], [sflag:$0x1] =	stream.indirect_vreg.gather [hbm4b:s5+s3], $0x80, v3, vm0, $0xb8;
	[tilespmem:$0x1B180] =	vst v63  }
0x37: {  	s10 =	simm.s32 $0x2980  }
0x38: {  	[tilespmem:s10], [sflag:$0x1] =	stream.indirect_vreg.gather [hbm4b:s6+s3], $0x80, v3, vm0, $0xb8;
	[tilespmem:$0x1B180] =	vst v63  }
0x39: {  	v3 =	vld.msk [tilespmem:$0x10], $0xff;
	_ =	sdelay $0x4  }
0x3a: {  	v41 =	vshrl.u32 v3, $0x3  }
0x3b: {  	v4 =	vmul.u32 $0x30, v41  }
0x3c: {  	v3 =	vand.u32 $0x7, v3  }
0x3d: {  	v3 =	vor.u32 v3, v4  }
0x3e: {  	v3 =	vperm.xlane v3, v0;
	_ =	sdelay $0x1  }
0x3f: {  	v3 =	vadd.s32 v1, v3;
	_ =	sdelay $0x3  }
0x40: {  	s19 =	simm.s32 $0x3180  }
0x41: {  	[tilespmem:s19], [sflag:$0x1] =	stream.indirect_vreg.gather [hbm4b:s1+s3], $0x80, v3, vm0, $0xb8;
	[tilespmem:$0x1B180] =	vst v63  }
0x42: {  	s11 =	simm.s32 $0x3980  }
0x43: {  	[tilespmem:s11], [sflag:$0x1] =	stream.indirect_vreg.gather [hbm4b:s5+s3], $0x80, v3, vm0, $0xb8;
	[tilespmem:$0x1B180] =	vst v63  }
0x44: {  	s9 =	simm.s32 $0x4180  }
0x45: {  	[tilespmem:s9], [sflag:$0x1] =	stream.indirect_vreg.gather [hbm4b:s6+s3], $0x80, v3, vm0, $0xb8;
	[tilespmem:$0x1B180] =	vst v63  }
0x46: {  	v3 =	vld [tilespmem:$0x18];
	_ =	sdelay $0x4  }
0x47: {  	v42 =	vshrl.u32 v3, $0x3  }
0x48: {  	v4 =	vmul.u32 $0x30, v42  }
0x49: {  	v3 =	vand.u32 $0x7, v3  }
0x4a: {  	v3 =	vor.u32 v3, v4  }
0x4b: {  	v4 =	vperm.xlane v3, v0;
	_ =	sdelay $0x1  }
0x4c: {  	v4 =	vadd.s32 v1, v4;
	_ =	sdelay $0x3  }
0x4d: {  	s20 =	simm.s32 $0x4980;
	v3 =	vperm.xlane v3, v2  }
0x4e: {  	[tilespmem:s20], [sflag:$0x2] =	stream.indirect_vreg.gather [hbm4b:s1+s3], $0x80, v4, vm0, $0xb8;
	[tilespmem:$0x1B180] =	vst v63  }
0x4f: {  	v3 =	vadd.s32 v1, v3  }
0x50: {  	[tilespmem:s26], [sflag:$0x2] =	stream.indirect_vreg.gather [hbm4b:s5+s3], $0x80, v4, vm0, $0xb8;
	[tilespmem:$0x1B180] =	vst v63  }
0x51: {  	_ = 	snop  }
0x52: {  	[tilespmem:s23], [sflag:$0x2] =	stream.indirect_vreg.gather [hbm4b:s6+s3], $0x80, v4, vm0, $0xb8;
	[tilespmem:$0x1B180] =	vst v63  }
0x53: {  	s18 =	simm.s32 $0x6180  }
0x54: {  	[tilespmem:s18], [sflag:$0x2] =	stream.indirect_vreg.gather [hbm4b:s1+s3], $0x80, v3, vm0, $0xb8;
	[tilespmem:$0x1B180] =	vst v63  }
0x55: {  	s20 =	simm.s32 $0x6980  }
0x56: {  	[tilespmem:s20], [sflag:$0x2] =	stream.indirect_vreg.gather [hbm4b:s5+s3], $0x80, v3, vm0, $0xb8;
	[tilespmem:$0x1B180] =	vst v63  }
0x57: {  	_ = 	snop  }
0x58: {  	[tilespmem:s21], [sflag:$0x2] =	stream.indirect_vreg.gather [hbm4b:s6+s3], $0x80, v3, vm0, $0xb8;
	[tilespmem:$0x1B180] =	vst v63  }
0x59: {  	v3 =	vld.msk [tilespmem:$0x28], $0xff;
	_ =	sdelay $0x4  }
0x5a: {  	v43 =	vshrl.u32 v3, $0x3  }
0x5b: {  	v4 =	vmul.u32 $0x30, v43  }
0x5c: {  	v3 =	vand.u32 $0x7, v3  }
0x5d: {  	v3 =	vor.u32 v3, v4  }
0x5e: {  	v3 =	vperm.xlane v3, v0;
	_ =	sdelay $0x1  }
0x5f: {  	v3 =	vadd.s32 v1, v3;
	_ =	sdelay $0x4  }
0x60: {  	[tilespmem:s22], [sflag:$0x2] =	stream.indirect_vreg.gather [hbm4b:s1+s3], $0x80, v3, vm0, $0xb8;
	[tilespmem:$0x1B180] =	vst v63  }
0x61: {  	_ = 	snop  }
0x62: {  	[tilespmem:s24], [sflag:$0x2] =	stream.indirect_vreg.gather [hbm4b:s5+s3], $0x80, v3, vm0, $0xb8;
	[tilespmem:$0x1B180] =	vst v63  }
0x63: {  	_ = 	snop  }
0x64: {  	[tilespmem:s25], [sflag:$0x2] =	stream.indirect_vreg.gather [hbm4b:s6+s3], $0x80, v3, vm0, $0xb8;
	[tilespmem:$0x1B180] =	vst v63  }
0x65: {  	v3 =	vld [tilespmem:$0x30];
	_ =	sdelay $0x4  }
0x66: {  	v44 =	vshrl.u32 v3, $0x3  }
0x67: {  	v4 =	vmul.u32 $0x30, v44  }
0x68: {  	v3 =	vand.u32 $0x7, v3  }
0x69: {  	v3 =	vor.u32 v3, v4  }
0x6a: {  	v4 =	vperm.xlane v3, v0;
	_ =	sdelay $0x1  }
0x6b: {  	v4 =	vadd.s32 v1, v4;
	_ =	sdelay $0x3  }
0x6c: {  	v3 =	vperm.xlane v3, v2  }
0x6d: {  	[tilespmem:s28], [sflag:$0x3] =	stream.indirect_vreg.gather [hbm4b:s1+s3], $0x80, v4, vm0, $0xb8;
	[tilespmem:$0x1B180] =	vst v63  }
0x6e: {  	s4 =	simm.s32 $0x9980;
	v3 =	vadd.s32 v1, v3  }
0x6f: {  	[tilespmem:s4], [sflag:$0x3] =	stream.indirect_vreg.gather [hbm4b:s5+s3], $0x80, v4, vm0, $0xb8;
	[tilespmem:$0x1B180] =	vst v63  }
0x70: {  	s7 =	simm.s32 $0xA180  }
0x71: {  	[tilespmem:s7], [sflag:$0x3] =	stream.indirect_vreg.gather [hbm4b:s6+s3], $0x80, v4, vm0, $0xb8;
	[tilespmem:$0x1B180] =	vst v63  }
0x72: {  	_ = 	snop  }
0x73: {  	[tilespmem:s30], [sflag:$0x3] =	stream.indirect_vreg.gather [hbm4b:s1+s3], $0x80, v3, vm0, $0xb8;
	[tilespmem:$0x1B180] =	vst v63  }
0x74: {  	_ = 	snop  }
0x75: {  	[tilespmem:s31], [sflag:$0x3] =	stream.indirect_vreg.gather [hbm4b:s5+s3], $0x80, v3, vm0, $0xb8;
	[tilespmem:$0x1B180] =	vst v63  }
0x76: {  	s12 =	simm.s32 $0xB980  }
0x77: {  	[tilespmem:s12], [sflag:$0x3] =	stream.indirect_vreg.gather [hbm4b:s6+s3], $0x80, v3, vm0, $0xb8;
	[tilespmem:$0x1B180] =	vst v63  }
0x78: {  	v3 =	vld.msk [tilespmem:$0x40], $0xff;
	_ =	sdelay $0x4  }
0x79: {  	v45 =	vshrl.u32 v3, $0x3  }
0x7a: {  	v4 =	vmul.u32 $0x30, v45  }
0x7b: {  	v3 =	vand.u32 $0x7, v3  }
0x7c: {  	v3 =	vor.u32 v3, v4  }
0x7d: {  	v3 =	vperm.xlane v3, v0;
	_ =	sdelay $0x1  }
0x7e: {  	v3 =	vadd.s32 v1, v3;
	_ =	sdelay $0x3  }
0x7f: {  	s4 =	simm.s32 $0xC180  }
0x80: {  	[tilespmem:s4], [sflag:$0x3] =	stream.indirect_vreg.gather [hbm4b:s1+s3], $0x80, v3, vm0, $0xb8;
	[tilespmem:$0x1B180] =	vst v63  }
0x81: {  	s7 =	simm.s32 $0xC980  }
0x82: {  	[tilespmem:s7], [sflag:$0x3] =	stream.indirect_vreg.gather [hbm4b:s5+s3], $0x80, v3, vm0, $0xb8;
	[tilespmem:$0x1B180] =	vst v63  }
0x83: {  	s12 =	simm.s32 $0xD180  }
0x84: {  	[tilespmem:s12], [sflag:$0x3] =	stream.indirect_vreg.gather [hbm4b:s6+s3], $0x80, v3, vm0, $0xb8;
	[tilespmem:$0x1B180] =	vst v63  }
0x85: {  	v3 =	vld [tilespmem:$0x48];
	_ =	sdelay $0x4  }
0x86: {  	v46 =	vshrl.u32 v3, $0x3  }
0x87: {  	v4 =	vmul.u32 $0x30, v46  }
0x88: {  	v3 =	vand.u32 $0x7, v3  }
0x89: {  	v3 =	vor.u32 v3, v4  }
0x8a: {  	v4 =	vperm.xlane v3, v0;
	_ =	sdelay $0x1  }
0x8b: {  	v4 =	vadd.s32 v1, v4;
	_ =	sdelay $0x3  }
0x8c: {  	v3 =	vperm.xlane v3, v2  }
0x8d: {  	[tilespmem:s13], [sflag:$0x4] =	stream.indirect_vreg.gather [hbm4b:s1+s3], $0x80, v4, vm0, $0xb8;
	[tilespmem:$0x1B180] =	vst v63  }
0x8e: {  	s4 =	simm.s32 $0xE180;
	v3 =	vadd.s32 v1, v3  }
0x8f: {  	[tilespmem:s4], [sflag:$0x4] =	stream.indirect_vreg.gather [hbm4b:s5+s3], $0x80, v4, vm0, $0xb8;
	[tilespmem:$0x1B180] =	vst v63  }
0x90: {  	s7 =	simm.s32 $0xE980  }
0x91: {  	[tilespmem:s7], [sflag:$0x4] =	stream.indirect_vreg.gather [hbm4b:s6+s3], $0x80, v4, vm0, $0xb8;
	[tilespmem:$0x1B180] =	vst v63  }
0x92: {  	s12 =	simm.s32 $0xF180  }
0x93: {  	[tilespmem:s12], [sflag:$0x4] =	stream.indirect_vreg.gather [hbm4b:s1+s3], $0x80, v3, vm0, $0xb8;
	[tilespmem:$0x1B180] =	vst v63  }
0x94: {  	s4 =	simm.s32 $0xF980  }
0x95: {  	[tilespmem:s4], [sflag:$0x4] =	stream.indirect_vreg.gather [hbm4b:s5+s3], $0x80, v3, vm0, $0xb8;
	[tilespmem:$0x1B180] =	vst v63  }
0x96: {  	s7 =	simm.s32 $0x10180  }
0x97: {  	[tilespmem:s7], [sflag:$0x4] =	stream.indirect_vreg.gather [hbm4b:s6+s3], $0x80, v3, vm0, $0xb8;
	[tilespmem:$0x1B180] =	vst v63  }
0x98: {  	v3 =	vld.msk [tilespmem:$0x58], $0xff;
	_ =	sdelay $0x4  }
0x99: {  	v47 =	vshrl.u32 v3, $0x3  }
0x9a: {  	v4 =	vmul.u32 $0x30, v47  }
0x9b: {  	v3 =	vand.u32 $0x7, v3  }
0x9c: {  	v3 =	vor.u32 v3, v4  }
0x9d: {  	v3 =	vperm.xlane v3, v0;
	_ =	sdelay $0x1  }
0x9e: {  	v3 =	vadd.s32 v1, v3;
	_ =	sdelay $0x3  }
0x9f: {  	s12 =	simm.s32 $0x10980  }
0xa0: {  	[tilespmem:s12], [sflag:$0x4] =	stream.indirect_vreg.gather [hbm4b:s1+s3], $0x80, v3, vm0, $0xb8;
	[tilespmem:$0x1B180] =	vst v63  }
0xa1: {  	s4 =	simm.s32 $0x11180  }
0xa2: {  	[tilespmem:s4], [sflag:$0x4] =	stream.indirect_vreg.gather [hbm4b:s5+s3], $0x80, v3, vm0, $0xb8;
	[tilespmem:$0x1B180] =	vst v63  }
0xa3: {  	s7 =	simm.s32 $0x11980  }
0xa4: {  	[tilespmem:s7], [sflag:$0x4] =	stream.indirect_vreg.gather [hbm4b:s6+s3], $0x80, v3, vm0, $0xb8;
	[tilespmem:$0x1B180] =	vst v63  }
0xa5: {  	v3 =	vld [tilespmem:$0x60];
	_ =	sdelay $0x4  }
0xa6: {  	v48 =	vshrl.u32 v3, $0x3  }
0xa7: {  	v4 =	vmul.u32 $0x30, v48  }
0xa8: {  	v3 =	vand.u32 $0x7, v3  }
0xa9: {  	v3 =	vor.u32 v3, v4  }
0xaa: {  	v4 =	vperm.xlane v3, v0;
	_ =	sdelay $0x1  }
0xab: {  	v4 =	vadd.s32 v1, v4;
	_ =	sdelay $0x3  }
0xac: {  	v3 =	vperm.xlane v3, v2  }
0xad: {  	[tilespmem:s8], [sflag:$0x5] =	stream.indirect_vreg.gather [hbm4b:s1+s3], $0x80, v4, vm0, $0xb8;
	[tilespmem:$0x1B180] =	vst v63  }
0xae: {  	s12 =	simm.s32 $0x12980;
	v3 =	vadd.s32 v1, v3  }
0xaf: {  	[tilespmem:s12], [sflag:$0x5] =	stream.indirect_vreg.gather [hbm4b:s5+s3], $0x80, v4, vm0, $0xb8;
	[tilespmem:$0x1B180] =	vst v63  }
0xb0: {  	s4 =	simm.s32 $0x13180  }
0xb1: {  	[tilespmem:s4], [sflag:$0x5] =	stream.indirect_vreg.gather [hbm4b:s6+s3], $0x80, v4, vm0, $0xb8;
	[tilespmem:$0x1B180] =	vst v63  }
0xb2: {  	s7 =	simm.s32 $0x13980  }
0xb3: {  	[tilespmem:s7], [sflag:$0x5] =	stream.indirect_vreg.gather [hbm4b:s1+s3], $0x80, v3, vm0, $0xb8;
	[tilespmem:$0x1B180] =	vst v63  }
0xb4: {  	s12 =	simm.s32 $0x14180  }
0xb5: {  	[tilespmem:s12], [sflag:$0x5] =	stream.indirect_vreg.gather [hbm4b:s5+s3], $0x80, v3, vm0, $0xb8;
	[tilespmem:$0x1B180] =	vst v63  }
0xb6: {  	s4 =	simm.s32 $0x14980  }
0xb7: {  	[tilespmem:s4], [sflag:$0x5] =	stream.indirect_vreg.gather [hbm4b:s6+s3], $0x80, v3, vm0, $0xb8;
	[tilespmem:$0x1B180] =	vst v63  }
0xb8: {  	v3 =	vld.msk [tilespmem:$0x70], $0xff;
	_ =	sdelay $0x4  }
0xb9: {  	v49 =	vshrl.u32 v3, $0x3  }
0xba: {  	v4 =	vmul.u32 $0x30, v49  }
0xbb: {  	v3 =	vand.u32 $0x7, v3  }
0xbc: {  	v3 =	vor.u32 v3, v4  }
0xbd: {  	v3 =	vperm.xlane v3, v0;
	_ =	sdelay $0x1  }
0xbe: {  	v3 =	vadd.s32 v1, v3;
	_ =	sdelay $0x3  }
0xbf: {  	s7 =	simm.s32 $0x15180  }
0xc0: {  	[tilespmem:s7], [sflag:$0x5] =	stream.indirect_vreg.gather [hbm4b:s1+s3], $0x80, v3, vm0, $0xb8;
	[tilespmem:$0x1B180] =	vst v63  }
0xc1: {  	s12 =	simm.s32 $0x15980  }
0xc2: {  	[tilespmem:s12], [sflag:$0x5] =	stream.indirect_vreg.gather [hbm4b:s5+s3], $0x80, v3, vm0, $0xb8;
	[tilespmem:$0x1B180] =	vst v63  }
0xc3: {  	s4 =	simm.s32 $0x16180  }
0xc4: {  	[tilespmem:s4], [sflag:$0x5] =	stream.indirect_vreg.gather [hbm4b:s6+s3], $0x80, v3, vm0, $0xb8;
	[tilespmem:$0x1B180] =	vst v63  }
0xc5: {  	v3 =	vld [tilespmem:$0x78];
	_ =	sdelay $0x4  }
0xc6: {  	v50 =	vshrl.u32 v3, $0x3  }
0xc7: {  	v4 =	vmul.u32 $0x30, v50  }
0xc8: {  	v3 =	vand.u32 $0x7, v3  }
0xc9: {  	v3 =	vor.u32 v3, v4  }
0xca: {  	v4 =	vperm.xlane v3, v0;
	_ =	sdelay $0x1  }
0xcb: {  	v4 =	vadd.s32 v1, v4;
	_ =	sdelay $0x3  }
0xcc: {  	s4 =	simm.s32 $0x16980;
	v3 =	vperm.xlane v3, v2  }
0xcd: {  	[tilespmem:s4], [sflag:$0x6] =	stream.indirect_vreg.gather [hbm4b:s1+s3], $0x80, v4, vm0, $0xb8;
	[tilespmem:$0x1B180] =	vst v63  }
0xce: {  	s7 =	simm.s32 $0x17180;
	v3 =	vadd.s32 v1, v3  }
0xcf: {  	[tilespmem:s7], [sflag:$0x6] =	stream.indirect_vreg.gather [hbm4b:s5+s3], $0x80, v4, vm0, $0xb8;
	[tilespmem:$0x1B180] =	vst v63  }
0xd0: {  	s12 =	simm.s32 $0x17980  }
0xd1: {  	[tilespmem:s12], [sflag:$0x6] =	stream.indirect_vreg.gather [hbm4b:s6+s3], $0x80, v4, vm0, $0xb8;
	[tilespmem:$0x1B180] =	vst v63  }
0xd2: {  	s7 =	simm.s32 $0x18180  }
0xd3: {  	[tilespmem:s7], [sflag:$0x6] =	stream.indirect_vreg.gather [hbm4b:s1+s3], $0x80, v3, vm0, $0xb8;
	[tilespmem:$0x1B180] =	vst v63  }
0xd4: {  	s12 =	simm.s32 $0x18980  }
0xd5: {  	[tilespmem:s12], [sflag:$0x6] =	stream.indirect_vreg.gather [hbm4b:s5+s3], $0x80, v3, vm0, $0xb8;
	[tilespmem:$0x1B180] =	vst v63  }
0xd6: {  	s7 =	simm.s32 $0x19180  }
0xd7: {  	[tilespmem:s7], [sflag:$0x6] =	stream.indirect_vreg.gather [hbm4b:s6+s3], $0x80, v3, vm0, $0xb8;
	[tilespmem:$0x1B180] =	vst v63  }
0xd8: {  	v3 =	vld.msk [tilespmem:$0x88], $0xff;
	_ =	sdelay $0x4  }
0xd9: {  	v51 =	vshrl.u32 v3, $0x3  }
0xda: {  	v4 =	vmul.u32 $0x30, v51  }
0xdb: {  	v3 =	vand.u32 $0x7, v3  }
0xdc: {  	v3 =	vor.u32 v3, v4  }
0xdd: {  	v3 =	vperm.xlane v3, v0;
	_ =	sdelay $0x1  }
0xde: {  	v3 =	vadd.s32 v1, v3;
	_ =	sdelay $0x3  }
0xdf: {  	s12 =	simm.s32 $0x19980  }
0xe0: {  	[tilespmem:s12], [sflag:$0x6] =	stream.indirect_vreg.gather [hbm4b:s1+s3], $0x80, v3, vm0, $0xb8;
	[tilespmem:$0x1B180] =	vst v63  }
0xe1: {  	s7 =	simm.s32 $0x1A180  }
0xe2: {  	[tilespmem:s7], [sflag:$0x6] =	stream.indirect_vreg.gather [hbm4b:s5+s3], $0x80, v3, vm0, $0xb8;
	[tilespmem:$0x1B180] =	vst v63  }
0xe3: {  	s0 =	simm.s32 $0x1;
	s12 =	simm.s32 $0x1A980  }
0xe4: {  	[tilespmem:s12], [sflag:$0x6] =	stream.indirect_vreg.gather [hbm4b:s6+s3], $0x80, v3, vm0, $0xb8;
	[tilespmem:$0x1B180] =	vst v63  }
0xe5: {  	_ =	swait.ge [sflag:s0], $0x4800  }
0xe6: {  	[sflag:s0] =	ssyncset.done $0x0  }
0xe7: {  	s7 =	simm.s32 $0x180;
	s12 =	rddreg [dreg:$0x12];
	[sflag:s0] =	ssyncadd.s32 $0xFFFFB800  }
0xe8: {  	[hbm4b:s12+s3] =	stream.linear.scatter [tilespmem:s7], [sflag:$0x7], $0x4800, $0x38;
	[tilespmem:$0x1B180] =	vst v63  }
0xe9: {  	_ =	swait.ge [sflag:s2], $0x4800  }
0xea: {  	[sflag:s2] =	ssyncset.done $0x0  }
0xeb: {  	[sflag:s2] =	ssyncadd.s32 $0xFFFFB800  }
0xec: {  	v3 =	vld [tilespmem:$0x90];
	_ =	sdelay $0x4  }
0xed: {  	v52 =	vshrl.u32 v3, $0x3  }
0xee: {  	v4 =	vmul.u32 $0x30, v52  }
0xef: {  	v3 =	vand.u32 $0x7, v3  }
0xf0: {  	v3 =	vor.u32 v3, v4  }
0xf1: {  	v4 =	vperm.xlane v3, v0;
	_ =	sdelay $0x1  }
0xf2: {  	v4 =	vadd.s32 v1, v4;
	_ =	sdelay $0x3  }
0xf3: {  	v3 =	vperm.xlane v3, v2  }
0xf4: {  	[tilespmem:s7], [sflag:$0x1] =	stream.indirect_vreg.gather [hbm4b:s1+s3], $0x80, v4, vm0, $0xb8;
	[tilespmem:$0x1B180] =	vst v63  }
0xf5: {  	v3 =	vadd.s32 v1, v3  }
0xf6: {  	[tilespmem:s14], [sflag:$0x1] =	stream.indirect_vreg.gather [hbm4b:s5+s3], $0x80, v4, vm0, $0xb8;
	[tilespmem:$0x1B180] =	vst v63  }
0xf7: {  	_ = 	snop  }
0xf8: {  	[tilespmem:s15], [sflag:$0x1] =	stream.indirect_vreg.gather [hbm4b:s6+s3], $0x80, v4, vm0, $0xb8;
	[tilespmem:$0x1B180] =	vst v63  }
0xf9: {  	_ = 	snop  }
0xfa: {  	[tilespmem:s16], [sflag:$0x1] =	stream.indirect_vreg.gather [hbm4b:s1+s3], $0x80, v3, vm0, $0xb8;
	[tilespmem:$0x1B180] =	vst v63  }
0xfb: {  	_ = 	snop  }
0xfc: {  	[tilespmem:s17], [sflag:$0x1] =	stream.indirect_vreg.gather [hbm4b:s5+s3], $0x80, v3, vm0, $0xb8;
	[tilespmem:$0x1B180] =	vst v63  }
0xfd: {  	_ = 	snop  }
0xfe: {  	[tilespmem:s10], [sflag:$0x1] =	stream.indirect_vreg.gather [hbm4b:s6+s3], $0x80, v3, vm0, $0xb8;
	[tilespmem:$0x1B180] =	vst v63  }
0xff: {  	v3 =	vld.msk [tilespmem:$0xA0], $0xff;
	_ =	sdelay $0x4  }
0x100: {  	v53 =	vshrl.u32 v3, $0x3  }
0x101: {  	v4 =	vmul.u32 $0x30, v53  }
0x102: {  	v3 =	vand.u32 $0x7, v3  }
0x103: {  	v3 =	vor.u32 v3, v4  }
0x104: {  	v3 =	vperm.xlane v3, v0;
	_ =	sdelay $0x1  }
0x105: {  	v3 =	vadd.s32 v1, v3;
	_ =	sdelay $0x4  }
0x106: {  	[tilespmem:s19], [sflag:$0x1] =	stream.indirect_vreg.gather [hbm4b:s1+s3], $0x80, v3, vm0, $0xb8;
	[tilespmem:$0x1B180] =	vst v63  }
0x107: {  	_ = 	snop  }
0x108: {  	[tilespmem:s11], [sflag:$0x1] =	stream.indirect_vreg.gather [hbm4b:s5+s3], $0x80, v3, vm0, $0xb8;
	[tilespmem:$0x1B180] =	vst v63  }
0x109: {  	_ = 	snop  }
0x10a: {  	[tilespmem:s9], [sflag:$0x1] =	stream.indirect_vreg.gather [hbm4b:s6+s3], $0x80, v3, vm0, $0xb8;
	[tilespmem:$0x1B180] =	vst v63  }
0x10b: {  	s9 =	simm.s32 $0x2  }
0x10c: {  	_ =	swait.ge [sflag:s9], $0x4800  }
0x10d: {  	s16 =	simm.s32 $0x4980;
	[sflag:s9] =	ssyncset.done $0x0  }
0x10e: {  	s10 =	simm.s32 $0x8;
	s15 =	rddreg [dreg:$0x5];
	[sflag:s9] =	ssyncadd.s32 $0xFFFFB800  }
0x10f: {  	[hbm4b:s15+s3] =	stream.linear.scatter [tilespmem:s16], [sflag:$0x8], $0x4800, $0x38;
	[tilespmem:$0x1B180] =	vst v63  }
0x110: {  	_ =	swait.ge [sflag:s10], $0x4800  }
0x111: {  	[sflag:s10] =	ssyncset.done $0x0  }
0x112: {  	[sflag:s10] =	ssyncadd.s32 $0xFFFFB800  }
0x113: {  	v3 =	vld [tilespmem:$0xA8];
	_ =	sdelay $0x4  }
0x114: {  	v54 =	vshrl.u32 v3, $0x3  }
0x115: {  	v4 =	vmul.u32 $0x30, v54  }
0x116: {  	v3 =	vand.u32 $0x7, v3  }
0x117: {  	v3 =	vor.u32 v3, v4  }
0x118: {  	v4 =	vperm.xlane v3, v0;
	_ =	sdelay $0x1  }
0x119: {  	v4 =	vadd.s32 v1, v4;
	_ =	sdelay $0x3  }
0x11a: {  	v3 =	vperm.xlane v3, v2  }
0x11b: {  	[tilespmem:s16], [sflag:$0x2] =	stream.indirect_vreg.gather [hbm4b:s1+s3], $0x80, v4, vm0, $0xb8;
	[tilespmem:$0x1B180] =	vst v63  }
0x11c: {  	v3 =	vadd.s32 v1, v3  }
0x11d: {  	[tilespmem:s26], [sflag:$0x2] =	stream.indirect_vreg.gather [hbm4b:s5+s3], $0x80, v4, vm0, $0xb8;
	[tilespmem:$0x1B180] =	vst v63  }
0x11e: {  	_ = 	snop  }
0x11f: {  	[tilespmem:s23], [sflag:$0x2] =	stream.indirect_vreg.gather [hbm4b:s6+s3], $0x80, v4, vm0, $0xb8;
	[tilespmem:$0x1B180] =	vst v63  }
0x120: {  	_ = 	snop  }
0x121: {  	[tilespmem:s18], [sflag:$0x2] =	stream.indirect_vreg.gather [hbm4b:s1+s3], $0x80, v3, vm0, $0xb8;
	[tilespmem:$0x1B180] =	vst v63  }
0x122: {  	_ = 	snop  }
0x123: {  	[tilespmem:s20], [sflag:$0x2] =	stream.indirect_vreg.gather [hbm4b:s5+s3], $0x80, v3, vm0, $0xb8;
	[tilespmem:$0x1B180] =	vst v63  }
0x124: {  	_ = 	snop  }
0x125: {  	[tilespmem:s21], [sflag:$0x2] =	stream.indirect_vreg.gather [hbm4b:s6+s3], $0x80, v3, vm0, $0xb8;
	[tilespmem:$0x1B180] =	vst v63  }
0x126: {  	v3 =	vld.msk [tilespmem:$0xB8], $0xff;
	_ =	sdelay $0x4  }
0x127: {  	v55 =	vshrl.u32 v3, $0x3  }
0x128: {  	v4 =	vmul.u32 $0x30, v55  }
0x129: {  	v3 =	vand.u32 $0x7, v3  }
0x12a: {  	v3 =	vor.u32 v3, v4  }
0x12b: {  	v3 =	vperm.xlane v3, v0;
	_ =	sdelay $0x1  }
0x12c: {  	v3 =	vadd.s32 v1, v3;
	_ =	sdelay $0x4  }
0x12d: {  	[tilespmem:s22], [sflag:$0x2] =	stream.indirect_vreg.gather [hbm4b:s1+s3], $0x80, v3, vm0, $0xb8;
	[tilespmem:$0x1B180] =	vst v63  }
0x12e: {  	_ = 	snop  }
0x12f: {  	[tilespmem:s24], [sflag:$0x2] =	stream.indirect_vreg.gather [hbm4b:s5+s3], $0x80, v3, vm0, $0xb8;
	[tilespmem:$0x1B180] =	vst v63  }
0x130: {  	s11 =	simm.s32 $0x3  }
0x131: {  	[tilespmem:s25], [sflag:$0x2] =	stream.indirect_vreg.gather [hbm4b:s6+s3], $0x80, v3, vm0, $0xb8;
	[tilespmem:$0x1B180] =	vst v63  }
0x132: {  	_ =	swait.ge [sflag:s11], $0x4800  }
0x133: {  	[sflag:s11] =	ssyncset.done $0x0  }
0x134: {  	s14 =	simm.s32 $0x9;
	s17 =	rddreg [dreg:$0x6];
	[sflag:s11] =	ssyncadd.s32 $0xFFFFB800  }
0x135: {  	[hbm4b:s17+s3] =	stream.linear.scatter [tilespmem:s28], [sflag:$0x9], $0x4800, $0x38;
	[tilespmem:$0x1B180] =	vst v63  }
0x136: {  	_ =	swait.ge [sflag:s14], $0x4800  }
0x137: {  	[sflag:s14] =	ssyncset.done $0x0  }
0x138: {  	[sflag:s14] =	ssyncadd.s32 $0xFFFFB800  }
0x139: {  	v3 =	vld [tilespmem:$0xC0];
	_ =	sdelay $0x4  }
0x13a: {  	v56 =	vshrl.u32 v3, $0x3  }
0x13b: {  	v4 =	vmul.u32 $0x30, v56  }
0x13c: {  	v3 =	vand.u32 $0x7, v3  }
0x13d: {  	v3 =	vor.u32 v3, v4  }
0x13e: {  	v4 =	vperm.xlane v3, v0;
	_ =	sdelay $0x1  }
0x13f: {  	v4 =	vadd.s32 v1, v4;
	_ =	sdelay $0x3  }
0x140: {  	v3 =	vperm.xlane v3, v2  }
0x141: {  	[tilespmem:s28], [sflag:$0x3] =	stream.indirect_vreg.gather [hbm4b:s1+s3], $0x80, v4, vm0, $0xb8;
	[tilespmem:$0x1B180] =	vst v63  }
0x142: {  	s18 =	simm.s32 $0x9980;
	v3 =	vadd.s32 v1, v3  }
0x143: {  	[tilespmem:s18], [sflag:$0x3] =	stream.indirect_vreg.gather [hbm4b:s5+s3], $0x80, v4, vm0, $0xb8;
	[tilespmem:$0x1B180] =	vst v63  }
0x144: {  	s19 =	simm.s32 $0xA180  }
0x145: {  	[tilespmem:s19], [sflag:$0x3] =	stream.indirect_vreg.gather [hbm4b:s6+s3], $0x80, v4, vm0, $0xb8;
	[tilespmem:$0x1B180] =	vst v63  }
0x146: {  	_ = 	snop  }
0x147: {  	[tilespmem:s30], [sflag:$0x3] =	stream.indirect_vreg.gather [hbm4b:s1+s3], $0x80, v3, vm0, $0xb8;
	[tilespmem:$0x1B180] =	vst v63  }
0x148: {  	_ = 	snop  }
0x149: {  	[tilespmem:s31], [sflag:$0x3] =	stream.indirect_vreg.gather [hbm4b:s5+s3], $0x80, v3, vm0, $0xb8;
	[tilespmem:$0x1B180] =	vst v63  }
0x14a: {  	s20 =	simm.s32 $0xB980  }
0x14b: {  	[tilespmem:s20], [sflag:$0x3] =	stream.indirect_vreg.gather [hbm4b:s6+s3], $0x80, v3, vm0, $0xb8;
	[tilespmem:$0x1B180] =	vst v63  }
0x14c: {  	v3 =	vld.msk [tilespmem:$0xD0], $0xff;
	_ =	sdelay $0x4  }
0x14d: {  	v57 =	vshrl.u32 v3, $0x3  }
0x14e: {  	v4 =	vmul.u32 $0x30, v57  }
0x14f: {  	v3 =	vand.u32 $0x7, v3  }
0x150: {  	v3 =	vor.u32 v3, v4  }
0x151: {  	v3 =	vperm.xlane v3, v0;
	_ =	sdelay $0x1  }
0x152: {  	v3 =	vadd.s32 v1, v3;
	_ =	sdelay $0x3  }
0x153: {  	s15 =	simm.s32 $0xC180  }
0x154: {  	[tilespmem:s15], [sflag:$0x3] =	stream.indirect_vreg.gather [hbm4b:s1+s3], $0x80, v3, vm0, $0xb8;
	[tilespmem:$0x1B180] =	vst v63  }
0x155: {  	s16 =	simm.s32 $0xC980  }
0x156: {  	[tilespmem:s16], [sflag:$0x3] =	stream.indirect_vreg.gather [hbm4b:s5+s3], $0x80, v3, vm0, $0xb8;
	[tilespmem:$0x1B180] =	vst v63  }
0x157: {  	s17 =	simm.s32 $0xD180;
	s15 =	simm.s32 $0x4  }
0x158: {  	[tilespmem:s17], [sflag:$0x3] =	stream.indirect_vreg.gather [hbm4b:s6+s3], $0x80, v3, vm0, $0xb8;
	[tilespmem:$0x1B180] =	vst v63  }
0x159: {  	_ =	swait.ge [sflag:s15], $0x4800  }
0x15a: {  	[sflag:s15] =	ssyncset.done $0x0  }
0x15b: {  	s16 =	simm.s32 $0xA;
	s18 =	rddreg [dreg:$0x7];
	[sflag:s15] =	ssyncadd.s32 $0xFFFFB800  }
0x15c: {  	[hbm4b:s18+s3] =	stream.linear.scatter [tilespmem:s13], [sflag:$0xA], $0x4800, $0x38;
	[tilespmem:$0x1B180] =	vst v63  }
0x15d: {  	_ =	swait.ge [sflag:s16], $0x4800  }
0x15e: {  	[sflag:s16] =	ssyncset.done $0x0  }
0x15f: {  	[sflag:s16] =	ssyncadd.s32 $0xFFFFB800  }
0x160: {  	v3 =	vld [tilespmem:$0xD8];
	_ =	sdelay $0x4  }
0x161: {  	v58 =	vshrl.u32 v3, $0x3  }
0x162: {  	v4 =	vmul.u32 $0x30, v58  }
0x163: {  	v3 =	vand.u32 $0x7, v3  }
0x164: {  	v3 =	vor.u32 v3, v4  }
0x165: {  	v4 =	vperm.xlane v3, v0;
	_ =	sdelay $0x1  }
0x166: {  	v4 =	vadd.s32 v1, v4;
	_ =	sdelay $0x3  }
0x167: {  	v3 =	vperm.xlane v3, v2  }
0x168: {  	[tilespmem:s13], [sflag:$0x4] =	stream.indirect_vreg.gather [hbm4b:s1+s3], $0x80, v4, vm0, $0xb8;
	[tilespmem:$0x1B180] =	vst v63  }
0x169: {  	s19 =	simm.s32 $0xE180;
	v3 =	vadd.s32 v1, v3  }
0x16a: {  	[tilespmem:s19], [sflag:$0x4] =	stream.indirect_vreg.gather [hbm4b:s5+s3], $0x80, v4, vm0, $0xb8;
	[tilespmem:$0x1B180] =	vst v63  }
0x16b: {  	s20 =	simm.s32 $0xE980  }
0x16c: {  	[tilespmem:s20], [sflag:$0x4] =	stream.indirect_vreg.gather [hbm4b:s6+s3], $0x80, v4, vm0, $0xb8;
	[tilespmem:$0x1B180] =	vst v63  }
0x16d: {  	s17 =	simm.s32 $0xF180  }
0x16e: {  	[tilespmem:s17], [sflag:$0x4] =	stream.indirect_vreg.gather [hbm4b:s1+s3], $0x80, v3, vm0, $0xb8;
	[tilespmem:$0x1B180] =	vst v63  }
0x16f: {  	s18 =	simm.s32 $0xF980  }
0x170: {  	[tilespmem:s18], [sflag:$0x4] =	stream.indirect_vreg.gather [hbm4b:s5+s3], $0x80, v3, vm0, $0xb8;
	[tilespmem:$0x1B180] =	vst v63  }
0x171: {  	s19 =	simm.s32 $0x10180  }
0x172: {  	[tilespmem:s19], [sflag:$0x4] =	stream.indirect_vreg.gather [hbm4b:s6+s3], $0x80, v3, vm0, $0xb8;
	[tilespmem:$0x1B180] =	vst v63  }
0x173: {  	v3 =	vld.msk [tilespmem:$0xE8], $0xff;
	_ =	sdelay $0x4  }
0x174: {  	v59 =	vshrl.u32 v3, $0x3  }
0x175: {  	v4 =	vmul.u32 $0x30, v59  }
0x176: {  	v3 =	vand.u32 $0x7, v3  }
0x177: {  	v3 =	vor.u32 v3, v4  }
0x178: {  	v3 =	vperm.xlane v3, v0;
	_ =	sdelay $0x1  }
0x179: {  	v3 =	vadd.s32 v1, v3;
	_ =	sdelay $0x3  }
0x17a: {  	s20 =	simm.s32 $0x10980  }
0x17b: {  	[tilespmem:s20], [sflag:$0x4] =	stream.indirect_vreg.gather [hbm4b:s1+s3], $0x80, v3, vm0, $0xb8;
	[tilespmem:$0x1B180] =	vst v63  }
0x17c: {  	s17 =	simm.s32 $0x11180  }
0x17d: {  	[tilespmem:s17], [sflag:$0x4] =	stream.indirect_vreg.gather [hbm4b:s5+s3], $0x80, v3, vm0, $0xb8;
	[tilespmem:$0x1B180] =	vst v63  }
0x17e: {  	s18 =	simm.s32 $0x11980;
	s17 =	simm.s32 $0x5  }
0x17f: {  	[tilespmem:s18], [sflag:$0x4] =	stream.indirect_vreg.gather [hbm4b:s6+s3], $0x80, v3, vm0, $0xb8;
	[tilespmem:$0x1B180] =	vst v63  }
0x180: {  	_ =	swait.ge [sflag:s17], $0x4800  }
0x181: {  	[sflag:s17] =	ssyncset.done $0x0  }
0x182: {  	s18 =	simm.s32 $0xB;
	s19 =	rddreg [dreg:$0x8];
	[sflag:s17] =	ssyncadd.s32 $0xFFFFB800  }
0x183: {  	[hbm4b:s19+s3] =	stream.linear.scatter [tilespmem:s8], [sflag:$0xB], $0x4800, $0x38;
	[tilespmem:$0x1B180] =	vst v63  }
0x184: {  	_ =	swait.ge [sflag:s18], $0x4800  }
0x185: {  	[sflag:s18] =	ssyncset.done $0x0  }
0x186: {  	[sflag:s18] =	ssyncadd.s32 $0xFFFFB800  }
0x187: {  	v3 =	vld [tilespmem:$0xF0];
	_ =	sdelay $0x4  }
0x188: {  	v60 =	vshrl.u32 v3, $0x3  }
0x189: {  	v4 =	vmul.u32 $0x30, v60  }
0x18a: {  	v3 =	vand.u32 $0x7, v3  }
0x18b: {  	v3 =	vor.u32 v3, v4  }
0x18c: {  	v4 =	vperm.xlane v3, v0;
	_ =	sdelay $0x1  }
0x18d: {  	v4 =	vadd.s32 v1, v4;
	_ =	sdelay $0x3  }
0x18e: {  	v3 =	vperm.xlane v3, v2  }
0x18f: {  	[tilespmem:s8], [sflag:$0x5] =	stream.indirect_vreg.gather [hbm4b:s1+s3], $0x80, v4, vm0, $0xb8;
	[tilespmem:$0x1B180] =	vst v63  }
0x190: {  	s20 =	simm.s32 $0x12980;
	v3 =	vadd.s32 v1, v3  }
0x191: {  	[tilespmem:s20], [sflag:$0x5] =	stream.indirect_vreg.gather [hbm4b:s5+s3], $0x80, v4, vm0, $0xb8;
	[tilespmem:$0x1B180] =	vst v63  }
0x192: {  	s19 =	simm.s32 $0x13180  }
0x193: {  	[tilespmem:s19], [sflag:$0x5] =	stream.indirect_vreg.gather [hbm4b:s6+s3], $0x80, v4, vm0, $0xb8;
	[tilespmem:$0x1B180] =	vst v63  }
0x194: {  	s20 =	simm.s32 $0x13980  }
0x195: {  	[tilespmem:s20], [sflag:$0x5] =	stream.indirect_vreg.gather [hbm4b:s1+s3], $0x80, v3, vm0, $0xb8;
	[tilespmem:$0x1B180] =	vst v63  }
0x196: {  	s19 =	simm.s32 $0x14180  }
0x197: {  	[tilespmem:s19], [sflag:$0x5] =	stream.indirect_vreg.gather [hbm4b:s5+s3], $0x80, v3, vm0, $0xb8;
	[tilespmem:$0x1B180] =	vst v63  }
0x198: {  	s20 =	simm.s32 $0x14980  }
0x199: {  	[tilespmem:s20], [sflag:$0x5] =	stream.indirect_vreg.gather [hbm4b:s6+s3], $0x80, v3, vm0, $0xb8;
	[tilespmem:$0x1B180] =	vst v63  }
0x19a: {  	v3 =	vld.msk [tilespmem:$0x100], $0xff;
	_ =	sdelay $0x4  }
0x19b: {  	v61 =	vshrl.u32 v3, $0x3  }
0x19c: {  	v4 =	vmul.u32 $0x30, v61  }
0x19d: {  	v3 =	vand.u32 $0x7, v3  }
0x19e: {  	v3 =	vor.u32 v3, v4  }
0x19f: {  	v3 =	vperm.xlane v3, v0;
	_ =	sdelay $0x1  }
0x1a0: {  	v3 =	vadd.s32 v1, v3;
	_ =	sdelay $0x3  }
0x1a1: {  	s19 =	simm.s32 $0x15180  }
0x1a2: {  	[tilespmem:s19], [sflag:$0x5] =	stream.indirect_vreg.gather [hbm4b:s1+s3], $0x80, v3, vm0, $0xb8;
	[tilespmem:$0x1B180] =	vst v63  }
0x1a3: {  	s20 =	simm.s32 $0x15980  }
0x1a4: {  	[tilespmem:s20], [sflag:$0x5] =	stream.indirect_vreg.gather [hbm4b:s5+s3], $0x80, v3, vm0, $0xb8;
	[tilespmem:$0x1B180] =	vst v63  }
0x1a5: {  	s19 =	simm.s32 $0x16180  }
0x1a6: {  	[tilespmem:s19], [sflag:$0x5] =	stream.indirect_vreg.gather [hbm4b:s6+s3], $0x80, v3, vm0, $0xb8;
	[tilespmem:$0x1B180] =	vst v63  }
0x1a7: {  	s19 =	simm.s32 $0x6  }
0x1a8: {  	_ =	swait.ge [sflag:s19], $0x4800  }
0x1a9: {  	[sflag:s19] =	ssyncset.done $0x0  }
0x1aa: {  	s20 =	rddreg [dreg:$0x9];
	[sflag:s19] =	ssyncadd.s32 $0xFFFFB800  }
0x1ab: {  	[hbm4b:s20+s3] =	stream.linear.scatter [tilespmem:s4], [sflag:$0xC], $0x4800, $0x38;
	[tilespmem:$0x1B180] =	vst v63  }
0x1ac: {  	s20 =	simm.s32 $0xC  }
0x1ad: {  	_ =	swait.ge [sflag:s20], $0x4800  }
0x1ae: {  	[sflag:s20] =	ssyncset.done $0x0  }
0x1af: {  	[sflag:s20] =	ssyncadd.s32 $0xFFFFB800  }
0x1b0: {  	v3 =	vld [tilespmem:$0x108];
	_ =	sdelay $0x4  }
0x1b1: {  	v62 =	vshrl.u32 v3, $0x3  }
0x1b2: {  	v4 =	vmul.u32 $0x30, v62  }
0x1b3: {  	v3 =	vand.u32 $0x7, v3  }
0x1b4: {  	v3 =	vor.u32 v3, v4  }
0x1b5: {  	v4 =	vperm.xlane v3, v0;
	_ =	sdelay $0x1  }
0x1b6: {  	v4 =	vadd.s32 v1, v4;
	_ =	sdelay $0x3  }
0x1b7: {  	v3 =	vperm.xlane v3, v2  }
0x1b8: {  	[tilespmem:s4], [sflag:$0x6] =	stream.indirect_vreg.gather [hbm4b:s1+s3], $0x80, v4, vm0, $0xb8;
	[tilespmem:$0x1B180] =	vst v63  }
0x1b9: {  	s12 =	simm.s32 $0x17180;
	v3 =	vadd.s32 v1, v3  }
0x1ba: {  	[tilespmem:s12], [sflag:$0x6] =	stream.indirect_vreg.gather [hbm4b:s5+s3], $0x80, v4, vm0, $0xb8;
	[tilespmem:$0x1B180] =	vst v63  }
0x1bb: {  	s12 =	simm.s32 $0x17980  }
0x1bc: {  	[tilespmem:s12], [sflag:$0x6] =	stream.indirect_vreg.gather [hbm4b:s6+s3], $0x80, v4, vm0, $0xb8;
	[tilespmem:$0x1B180] =	vst v63  }
0x1bd: {  	s12 =	simm.s32 $0x18180  }
0x1be: {  	[tilespmem:s12], [sflag:$0x6] =	stream.indirect_vreg.gather [hbm4b:s1+s3], $0x80, v3, vm0, $0xb8;
	[tilespmem:$0x1B180] =	vst v63  }
0x1bf: {  	s12 =	simm.s32 $0x18980  }
0x1c0: {  	[tilespmem:s12], [sflag:$0x6] =	stream.indirect_vreg.gather [hbm4b:s5+s3], $0x80, v3, vm0, $0xb8;
	[tilespmem:$0x1B180] =	vst v63  }
0x1c1: {  	s12 =	simm.s32 $0x19180  }
0x1c2: {  	[tilespmem:s12], [sflag:$0x6] =	stream.indirect_vreg.gather [hbm4b:s6+s3], $0x80, v3, vm0, $0xb8;
	[tilespmem:$0x1B180] =	vst v63  }
0x1c3: {  	v3 =	vld.msk [tilespmem:$0x118], $0xff;
	_ =	sdelay $0x4  }
0x1c4: {  	v63 =	vshrl.u32 v3, $0x3  }
0x1c5: {  	v4 =	vmul.u32 $0x30, v63  }
0x1c6: {  	v3 =	vand.u32 $0x7, v3  }
0x1c7: {  	v3 =	vor.u32 v3, v4  }
0x1c8: {  	v3 =	vperm.xlane v3, v0;
	_ =	sdelay $0x1  }
0x1c9: {  	v3 =	vadd.s32 v1, v3;
	_ =	sdelay $0x3  }
0x1ca: {  	s12 =	simm.s32 $0x19980  }
0x1cb: {  	[tilespmem:s12], [sflag:$0x6] =	stream.indirect_vreg.gather [hbm4b:s1+s3], $0x80, v3, vm0, $0xb8;
	[tilespmem:$0x1B180] =	vst v63  }
0x1cc: {  	s12 =	simm.s32 $0x1A180  }
0x1cd: {  	[tilespmem:s12], [sflag:$0x6] =	stream.indirect_vreg.gather [hbm4b:s5+s3], $0x80, v3, vm0, $0xb8;
	[tilespmem:$0x1B180] =	vst v63  }
0x1ce: {  	s12 =	simm.s32 $0x1A980  }
0x1cf: {  	[tilespmem:s12], [sflag:$0x6] =	stream.indirect_vreg.gather [hbm4b:s6+s3], $0x80, v3, vm0, $0xb8;
	[tilespmem:$0x1B180] =	vst v63  }
0x1d0: {  	_ =	swait.ge [sflag:s0], $0x4800  }
0x1d1: {  	[sflag:s0] =	ssyncset.done $0x0  }
0x1d2: {  	s12 =	rddreg [dreg:$0xa];
	[sflag:s0] =	ssyncadd.s32 $0xFFFFB800;
	s0 =	simm.s32 $0x180  }
0x1d3: {  	[hbm4b:s12+s3] =	stream.linear.scatter [tilespmem:s0], [sflag:$0x7], $0x4800, $0x38;
	[tilespmem:$0x1B180] =	vst v63  }
0x1d4: {  	_ =	swait.ge [sflag:s9], $0x4800  }
0x1d5: {  	[sflag:s9] =	ssyncset.done $0x0  }
0x1d6: {  	s7 =	simm.s32 $0x4980;
	s0 =	rddreg [dreg:$0xb];
	[sflag:s9] =	ssyncadd.s32 $0xFFFFB800  }
0x1d7: {  	[hbm4b:s0+s3] =	stream.linear.scatter [tilespmem:s7], [sflag:$0x8], $0x4800, $0x38;
	[tilespmem:$0x1B180] =	vst v63  }
0x1d8: {  	_ =	swait.ge [sflag:s11], $0x4800  }
0x1d9: {  	[sflag:s11] =	ssyncset.done $0x0  }
0x1da: {  	s9 =	rddreg [dreg:$0xc];
	[sflag:s11] =	ssyncadd.s32 $0xFFFFB800  }
0x1db: {  	[hbm4b:s9+s3] =	stream.linear.scatter [tilespmem:s28], [sflag:$0x9], $0x4800, $0x38;
	[tilespmem:$0x1B180] =	vst v63  }
0x1dc: {  	_ =	swait.ge [sflag:s15], $0x4800  }
0x1dd: {  	[sflag:s15] =	ssyncset.done $0x0  }
0x1de: {  	s11 =	rddreg [dreg:$0xd];
	[sflag:s15] =	ssyncadd.s32 $0xFFFFB800  }
0x1df: {  	[hbm4b:s11+s3] =	stream.linear.scatter [tilespmem:s13], [sflag:$0xA], $0x4800, $0x38;
	[tilespmem:$0x1B180] =	vst v63  }
0x1e0: {  	_ =	swait.ge [sflag:s17], $0x4800  }
0x1e1: {  	[sflag:s17] =	ssyncset.done $0x0  }
0x1e2: {  	s15 =	rddreg [dreg:$0xe];
	[sflag:s17] =	ssyncadd.s32 $0xFFFFB800  }
0x1e3: {  	[hbm4b:s15+s3] =	stream.linear.scatter [tilespmem:s8], [sflag:$0xB], $0x4800, $0x38;
	[tilespmem:$0x1B180] =	vst v63  }
0x1e4: {  	_ =	swait.ge [sflag:s19], $0x4800  }
0x1e5: {  	[sflag:s19] =	ssyncset.done $0x0  }
0x1e6: {  	s17 =	rddreg [dreg:$0xf];
	[sflag:s19] =	ssyncadd.s32 $0xFFFFB800  }
0x1e7: {  	[hbm4b:s17+s3] =	stream.linear.scatter [tilespmem:s4], [sflag:$0xC], $0x4800, $0x38;
	[tilespmem:$0x1B180] =	vst v63  }
0x1e8: {  	_ =	swait.ge [sflag:s2], $0x4800  }
0x1e9: {  	[sflag:s2] =	ssyncset.done $0x0  }
0x1ea: {  	[sflag:s2] =	ssyncadd.s32 $0xFFFFB800  }
0x1eb: {  	_ =	swait.ge [sflag:s10], $0x4800  }
0x1ec: {  	[sflag:s10] =	ssyncset.done $0x0  }
0x1ed: {  	[sflag:s10] =	ssyncadd.s32 $0xFFFFB800  }
0x1ee: {  	_ =	swait.ge [sflag:s14], $0x4800  }
0x1ef: {  	[sflag:s14] =	ssyncset.done $0x0  }
0x1f0: {  	[sflag:s14] =	ssyncadd.s32 $0xFFFFB800  }
0x1f1: {  	_ =	swait.ge [sflag:s16], $0x4800  }
0x1f2: {  	[sflag:s16] =	ssyncset.done $0x0  }
0x1f3: {  	[sflag:s16] =	ssyncadd.s32 $0xFFFFB800  }
0x1f4: {  	p0 =	sne.s32 s29, $0x1;
	_ =	swait.ge [sflag:s18], $0x4800  }
.Ltmp0:
0x1f5: {  	[sflag:s18] =	ssyncset.done $0x0;
	(pc) =	sbr.rel @p0 .LBB2_1-.Ltmp0, $4  }
0x1f6: {  	[sflag:s18] =	ssyncadd.s32 $0xFFFFB800  }
0x1f7: {  	_ =	swait.ge [sflag:s20], $0x4800  }
0x1f8: {  	[sflag:s20] =	ssyncset.done $0x0  }
0x1f9: {  	s29 =	sadd.s32 $0xFFFFFFFF, s29;
	[sflag:s20] =	ssyncadd.s32 $0xFFFFB800  }
0x1fa: {  	_ =	sfence.sel $0x180000  }
0x1fb: {  	[bflag:$0x0] =	sbarrier.arrive $0xFFFF  }
0x1fc: {  	_ =	strace $0x90000047  }
0x1fd: {  	s0 =	stileid.u32;
	[bflag:$0x2] =	sbarrier.arrive $0xFFFF  }
0x1fe: {  	p0 =	sne.s32 s0, $0x0;
	s0 =	rddreg [dreg:$0x3]  }
0x1ff: {  	s0 =	sadd.s32 @!p0 $0x100000, s0  }
0x200: {  	[sflag:s0] =	ssyncadd.tile.s32 @!p0 $0x1;
	_ =	shalt  }
.Lfunc_end2:
_tile_overlayer_lowered:
.L_overlay_start_2:
0x201: {  	(tag) =	ssettag $0x2  }
0x202: {  	s0 =	rddreg [dreg:$0x0];
	s2 =	stileid.u32  }
0x203: {  	s1 =	rddreg [dreg:$0x1];
	p0 =	sne.s32 s2, $0x0  }
0x204: {  	s3 =	rddreg [dreg:$0x2];
	[bflag:$0x3] =	sbarrier.arrive $0xFFFF;
	s2 =	simm.s32 @!p0 $0x1C0D  }
0x205: {  	[timem:s3], [sflag:s2] =	dma.local @!p0 [hbm:s0], s1  }
0x206: {  	s0 =	simm.s32 @!p0 $0xD  }
0x207: {  	_ =	swait.ge @!p0 [sflag:s0], s1  }
0x208: {  	s1 =	ssub.s32 @!p0 $0x0, s1;
	[sflag:s0] =	ssyncset.done @!p0 $0x0  }
0x209: {  	[sflag:s0] =	ssyncadd.s32 @!p0 s1  }
0x20a: {  	[bflag:$0x3] =	sbarrier.arrive $0xFFFF  }
0x20b: {  	_ =	shalt  }

</sc_bundles>
